<compile_context>
chip_gen: v7x
topology: tpu7x:2x2x1
jax: 0.10.2.dev20260603
libtpu: 0.0.44.dev20260713+nightly
codegen_flags: <defaults>
</compile_context>

<pallas_src>
import jax
import jax.numpy as jnp
from jax import lax
from jax.experimental import pallas as pl
from jax.experimental.pallas import tpu as pltpu
from jax.experimental.pallas import tpu_sc as plsc

B = 32768
D = 256
K = 8192
COMMIT = 0.25

BM = 1024
BK = 1024
NB = B // BM
NK = K // BK
LOSS_SCALE = (1.0 + COMMIT) / (B * D)


def _dist_kernel(z_ref, e_ref, eb_ref, idx_ref, loss_ref, en_ref):
    i = pl.program_id(0)

    @pl.when(i == 0)
    def _():
        e = e_ref[...]
        en_ref[...] = lax.dot_general(
            jnp.ones((8, D), jnp.float32), e * e,
            (((1,), (1,)), ((), ())),
            precision=lax.Precision.HIGHEST,
            preferred_element_type=jnp.float32)

    z = z_ref[...]
    zn = jnp.sum(z * z, axis=1, keepdims=True)
    zb2 = (z + z).astype(jnp.bfloat16)

    run_min = None
    run_idx = None
    NCHUNK = BK // 128

    def merge(av, ai, bv, bi):
        mv = jnp.minimum(av, bv)
        mi = jnp.where(bv < av, bi, ai)
        return mv, mi

    for j in range(NK):
        eb = eb_ref[pl.ds(j * BK, BK), :]
        en = en_ref[0:1, pl.ds(j * BK, BK)]
        m2 = lax.dot_general(
            zb2, eb, (((1,), (1,)), ((), ())),
            preferred_element_type=jnp.float32)
        d = (zn + en) - m2
        vals = [d[:, k * 128:(k + 1) * 128] for k in range(NCHUNK)]
        idxs = [lax.bitcast_convert_type(
                    jnp.full((BM, 128), j * BK + k * 128, jnp.int32),
                    jnp.float32)
                for k in range(NCHUNK)]
        while len(vals) > 1:
            nv, ni = [], []
            for k in range(0, len(vals), 2):
                v, ix = merge(vals[k], idxs[k], vals[k + 1], idxs[k + 1])
                nv.append(v)
                ni.append(ix)
            vals, idxs = nv, ni
        if j == 0:
            run_min, run_idx = vals[0], idxs[0]
        else:
            run_min, run_idx = merge(run_min, run_idx, vals[0], idxs[0])

    lane = lax.broadcasted_iota(jnp.int32, (BM, 128), 1)
    fidx = lax.bitcast_convert_type(run_idx, jnp.int32) + lane
    gmin = jnp.min(run_min, axis=1, keepdims=True)
    cand = jnp.where(run_min == gmin, fidx, K)
    idx_ref[...] = jnp.min(cand, axis=1, keepdims=True)

    part = jnp.sum(gmin)
    prev = jnp.where(i == 0, jnp.zeros((1, 1), jnp.float32), loss_ref[...])
    loss_ref[...] = prev + part


def _distances_argmin(z, embedding, emb_bf16):
    nrows = z.shape[0]
    nb = nrows // BM
    idx2, loss2 = pl.pallas_call(
        _dist_kernel,
        grid=(nb,),
        in_specs=[
            pl.BlockSpec((BM, D), lambda i: (i, 0)),
            pl.BlockSpec((K, D), lambda i: (0, 0)),
            pl.BlockSpec((K, D), lambda i: (0, 0)),
        ],
        out_specs=[
            pl.BlockSpec((BM, 1), lambda i: (i, 0)),
            pl.BlockSpec((1, 1), lambda i: (0, 0)),
        ],
        out_shape=[
            jax.ShapeDtypeStruct((nrows, 1), jnp.int32),
            jax.ShapeDtypeStruct((1, 1), jnp.float32),
        ],
        scratch_shapes=[pltpu.VMEM((8, K), jnp.float32)],
    )(z, embedding, emb_bf16)
    return idx2.reshape(nrows), loss2[0, 0]



_NC, _NS = 2, 16
_NW = _NC * _NS
_CH = 128


def _gather_st(embedding, idx, z):
    nrows = z.shape[0]
    bpw = nrows // _NW
    nch = bpw // _CH

    def body(e_hbm, idx_hbm, out_hbm, idx_v, rows_v, sg, ss):
        wid = lax.axis_index("s") * _NC + lax.axis_index("c")
        base = wid * bpw
        pltpu.sync_copy(idx_hbm.at[pl.ds(base, bpw)], idx_v)

        hg, hs = {}, {}

        def start(c):
            rb = c % 3
            if hs.get(rb) is not None:
                hs[rb].wait()
                hs[rb] = None
            hg[rb] = pltpu.async_copy(
                e_hbm.at[idx_v.at[pl.ds(c * _CH, _CH)]], rows_v.at[rb],
                sg.at[rb])

        start(0)
        start(1)
        for c in range(nch):
            rb = c % 3
            hg[rb].wait()
            hs[rb] = pltpu.async_copy(
                rows_v.at[rb], out_hbm.at[pl.ds(base + c * _CH, _CH)],
                ss.at[rb])
            if c + 2 < nch:
                start(c + 2)
        for rb in range(3):
            if hs.get(rb) is not None:
                hs[rb].wait()

    mesh = plsc.VectorSubcoreMesh(core_axis_name="c", subcore_axis_name="s")
    f = pl.kernel(
        body,
        mesh=mesh,
        out_type=jax.ShapeDtypeStruct((nrows, D), jnp.float32),
        scratch_types=[
            pltpu.VMEM((bpw,), jnp.int32),
            pltpu.VMEM((3, _CH, D), jnp.float32),
            pltpu.SemaphoreType.DMA((3,)),
            pltpu.SemaphoreType.DMA((3,)),
        ],
    )
    return f(embedding, idx)


def kernel(z, embedding):
    emb_bf16 = embedding.astype(jnp.bfloat16)
    encoding_indices, s = _distances_argmin(z, embedding, emb_bf16)
    z_q_st = _gather_st(embedding, encoding_indices, z)
    loss = (s * LOSS_SCALE).reshape(())
    return (z_q_st, loss, encoding_indices)

# --- scband reference (transcript-rebuilt; emitter-appended) ---
"""Pipeline reference for scband-vqembedding-25752623907355 (READ-ONLY COPY).

The authoritative reference and input builder live on the scoring server;
editing this copy changes nothing except your own understanding.
"""

import jax, jax.numpy as jnp
import numpy as np

NUM_EMBEDDINGS = 8192
EMBEDDING_DIM = 256
BATCH = 32768
COMMITMENT_COST = 0.25


def setup_inputs(seed: int = 0) -> dict:
    key = jax.random.key(seed)
    k_z, k_emb = jax.random.split(key)
    z = jax.random.normal(k_z, (BATCH, EMBEDDING_DIM), dtype=jnp.float32)
    # nn.Embedding weight initialized uniform(-1/K, 1/K)
    embedding = jax.random.uniform(
        k_emb, (NUM_EMBEDDINGS, EMBEDDING_DIM), dtype=jnp.float32,
        minval=-1.0 / NUM_EMBEDDINGS, maxval=1.0 / NUM_EMBEDDINGS)
    return {"z": z, "embedding": embedding}


def reference(z, embedding):
    # z: [B, D], embedding: [K, D]
    z_flat = z.reshape(-1, EMBEDDING_DIM)
    # squared L2 distances: ||z||^2 + ||e||^2 - 2 z e^T
    distances = (
        jnp.sum(z_flat ** 2, axis=1, keepdims=True)
        + jnp.sum(embedding.T ** 2, axis=0, keepdims=True)
        - 2.0 * jnp.matmul(z_flat, embedding.T)
    )
    encoding_indices = jnp.argmin(distances, axis=-1)
    z_q = jnp.take(embedding, encoding_indices, axis=0)
    z_q = z_q.reshape(z.shape[0], EMBEDDING_DIM)
    commitment_loss = COMMITMENT_COST * jnp.mean((jax.lax.stop_gradient(z_q) - z) ** 2)
    embedding_loss = jnp.mean((z_q - jax.lax.stop_gradient(z)) ** 2)
    loss = embedding_loss + commitment_loss
    z_q_st = z + jax.lax.stop_gradient(z_q - z)
    return (z_q_st, loss, encoding_indices)

if __name__ == "__main__":
    import jax
    _d = setup_inputs()
    print(jax.jit(kernel)(*tuple(_d.values())))

</pallas_src>

<mosaic_0001>
#map = affine_map<(d0, d1) -> (0, 0)>
#map1 = affine_map<(d0, d1) -> (0)>
module attributes {stable_mosaic.version = 14 : i64} {
  func.func @body(%arg0: i32, %arg1: i32, %arg2: memref<8192x256xf32, #tpu.memory_space<hbm>>, %arg3: memref<32768xi32, #tpu.memory_space<hbm>>, %arg4: memref<32768x256xf32, #tpu.memory_space<hbm>>, %arg5: memref<1024xi32, #tpu.memory_space<vmem>>, %arg6: memref<3x128x256xf32, #tpu.memory_space<vmem>>, %arg7: memref<3x!tpu.dma_semaphore, #tpu.memory_space<semaphore_mem>>, %arg8: memref<3x!tpu.dma_semaphore, #tpu.memory_space<semaphore_mem>>) attributes {dimension_semantics = [#tpu.dimension_semantics<core_parallel>, #tpu.dimension_semantics<subcore_parallel>], iteration_bounds = array<i64: 2, 16>, scalar_prefetch = 0 : i64, scratch_operands = 4 : i64, tpu.core_type = #tpu.core_type<sc_vector_subcore>, window_params = [{transform_indices = #map}, {transform_indices = #map1}, {transform_indices = #map}]} {
    %mul3A = arith.constant 2 : i32
    %mul3A_0 = arith.muli %arg1, %mul3A : i32
    %add3A = arith.addi %mul3A_0, %arg0 : i32
    %mul3A_1 = arith.constant 1024 : i32
    %mul3A_2 = arith.muli %add3A, %mul3A_1 : i32
    "tpu.region"() ({
      %run_scoped3A = tpu.sem_alloc : memref<!tpu.dma_semaphore, #tpu.memory_space<semaphore_mem>>
      %dma_start3A_481 = tpu.memref_slice %arg3[%mul3A_2] : memref<32768xi32, #tpu.memory_space<hbm>> -> memref<1024xi32, #tpu.memory_space<hbm>>
      %dma_start3A_482 = tpu.memref_slice %arg3[%mul3A_2] : memref<32768xi32, #tpu.memory_space<hbm>> -> memref<1024xi32, #tpu.memory_space<hbm>>
      tpu.enqueue_dma source(%dma_start3A_482 : memref<1024xi32, #tpu.memory_space<hbm>>) target(%arg5 : memref<1024xi32, #tpu.memory_space<vmem>>) target_semaphore(%run_scoped3A : memref<!tpu.dma_semaphore, #tpu.memory_space<semaphore_mem>>)
      %dma_wait3A_483 = tpu.memref_slice %arg3[%mul3A_2] : memref<32768xi32, #tpu.memory_space<hbm>> -> memref<1024xi32, #tpu.memory_space<hbm>>
      %dma_wait3A_484 = tpu.memref_slice %arg3[%mul3A_2] : memref<32768xi32, #tpu.memory_space<hbm>> -> memref<1024xi32, #tpu.memory_space<hbm>>
      tpu.wait_dma2 semaphore(%run_scoped3A : memref<!tpu.dma_semaphore, #tpu.memory_space<semaphore_mem>>) src(%dma_wait3A_484 : memref<1024xi32, #tpu.memory_space<hbm>>) dst(%arg5 : memref<1024xi32, #tpu.memory_space<vmem>>)
      tpu.yield
    }) : () -> ()
    %dma_start3A = arith.constant 0 : i32
    %dma_start3A_3 = arith.constant 0 : i32
    %dma_start3A_4 = arith.constant 0 : i32
    %dma_start3A_5 = arith.constant 0 : i32
    %dma_start3A_6 = tpu.memref_slice %arg6[%dma_start3A, %dma_start3A_4, %dma_start3A_5] : memref<3x128x256xf32, #tpu.memory_space<vmem>> -> memref<1x128x256xf32, #tpu.memory_space<vmem>>
    %dma_start3A_7 = tpu.memref_squeeze %dma_start3A_6 : memref<1x128x256xf32, #tpu.memory_space<vmem>> -> memref<128x256xf32, #tpu.memory_space<vmem>>
    %dma_start3A_8 = arith.constant 0 : i32
    %dma_start3A_9 = tpu.memref_slice %arg5[%dma_start3A_8] : memref<1024xi32, #tpu.memory_space<vmem>> -> memref<128xi32, #tpu.memory_space<vmem>>
    %dma_start3A_10 = arith.constant 0 : i32
    %dma_start3A_11 = arith.constant 0 : i32
    %dma_start3A_12 = tpu.memref_slice %arg2[%dma_start3A_10, %dma_start3A_11] : memref<8192x256xf32, #tpu.memory_space<hbm>> -> memref<8192x256xf32, #tpu.memory_space<hbm>>
    %dma_start3A_13 = tpu.memref_slice %arg7[%dma_start3A_3] : memref<3x!tpu.dma_semaphore, #tpu.memory_space<semaphore_mem>> -> memref<1x!tpu.dma_semaphore, #tpu.memory_space<semaphore_mem>>
    %dma_start3A_14 = tpu.memref_squeeze %dma_start3A_13 : memref<1x!tpu.dma_semaphore, #tpu.memory_space<semaphore_mem>> -> memref<!tpu.dma_semaphore, #tpu.memory_space<semaphore_mem>>
    tpu.enqueue_indirect_dma source(%dma_start3A_12 : memref<8192x256xf32, #tpu.memory_space<hbm>>) target(%dma_start3A_7 : memref<128x256xf32, #tpu.memory_space<vmem>>) offsets(%dma_start3A_9 : memref<128xi32, #tpu.memory_space<vmem>>) semaphore(%dma_start3A_14 : memref<!tpu.dma_semaphore, #tpu.memory_space<semaphore_mem>>)
    %dma_start3A_15 = arith.constant 1 : i32
    %dma_start3A_16 = arith.constant 1 : i32
    %dma_start3A_17 = arith.constant 0 : i32
    %dma_start3A_18 = arith.constant 0 : i32
    %dma_start3A_19 = tpu.memref_slice %arg6[%dma_start3A_15, %dma_start3A_17, %dma_start3A_18] : memref<3x128x256xf32, #tpu.memory_space<vmem>> -> memref<1x128x256xf32, #tpu.memory_space<vmem>>
    %dma_start3A_20 = tpu.memref_squeeze %dma_start3A_19 : memref<1x128x256xf32, #tpu.memory_space<vmem>> -> memref<128x256xf32, #tpu.memory_space<vmem>>
    %dma_start3A_21 = arith.constant 128 : i32
    %dma_start3A_22 = tpu.memref_slice %arg5[%dma_start3A_21] : memref<1024xi32, #tpu.memory_space<vmem>> -> memref<128xi32, #tpu.memory_space<vmem>>
    %dma_start3A_23 = arith.constant 0 : i32
    %dma_start3A_24 = arith.constant 0 : i32
    %dma_start3A_25 = tpu.memref_slice %arg2[%dma_start3A_23, %dma_start3A_24] : memref<8192x256xf32, #tpu.memory_space<hbm>> -> memref<8192x256xf32, #tpu.memory_space<hbm>>
    %dma_start3A_26 = tpu.memref_slice %arg7[%dma_start3A_16] : memref<3x!tpu.dma_semaphore, #tpu.memory_space<semaphore_mem>> -> memref<1x!tpu.dma_semaphore, #tpu.memory_space<semaphore_mem>>
    %dma_start3A_27 = tpu.memref_squeeze %dma_start3A_26 : memref<1x!tpu.dma_semaphore, #tpu.memory_space<semaphore_mem>> -> memref<!tpu.dma_semaphore, #tpu.memory_space<semaphore_mem>>
    tpu.enqueue_indirect_dma source(%dma_start3A_25 : memref<8192x256xf32, #tpu.memory_space<hbm>>) target(%dma_start3A_20 : memref<128x256xf32, #tpu.memory_space<vmem>>) offsets(%dma_start3A_22 : memref<128xi32, #tpu.memory_space<vmem>>) semaphore(%dma_start3A_27 : memref<!tpu.dma_semaphore, #tpu.memory_space<semaphore_mem>>)
    %dma_wait3A = arith.constant 0 : i32
    %dma_wait3A_28 = arith.constant 0 : i32
    %dma_wait3A_29 = arith.constant 0 : i32
    %dma_wait3A_30 = arith.constant 0 : i32
    %dma_wait3A_31 = tpu.memref_slice %arg6[%dma_wait3A, %dma_wait3A_29, %dma_wait3A_30] : memref<3x128x256xf32, #tpu.memory_space<vmem>> -> memref<1x128x256xf32, #tpu.memory_space<vmem>>
    %dma_wait3A_32 = tpu.memref_squeeze %dma_wait3A_31 : memref<1x128x256xf32, #tpu.memory_space<vmem>> -> memref<128x256xf32, #tpu.memory_space<vmem>>
    %dma_wait3A_33 = arith.constant 0 : i32
    %dma_wait3A_34 = tpu.memref_slice %arg5[%dma_wait3A_33] : memref<1024xi32, #tpu.memory_space<vmem>> -> memref<128xi32, #tpu.memory_space<vmem>>
    %dma_wait3A_35 = arith.constant 0 : i32
    %dma_wait3A_36 = arith.constant 0 : i32
    %dma_wait3A_37 = tpu.memref_slice %arg2[%dma_wait3A_35, %dma_wait3A_36] : memref<8192x256xf32, #tpu.memory_space<hbm>> -> memref<8192x256xf32, #tpu.memory_space<hbm>>
    %dma_wait3A_38 = tpu.memref_slice %arg7[%dma_wait3A_28] : memref<3x!tpu.dma_semaphore, #tpu.memory_space<semaphore_mem>> -> memref<1x!tpu.dma_semaphore, #tpu.memory_space<semaphore_mem>>
    %dma_wait3A_39 = tpu.memref_squeeze %dma_wait3A_38 : memref<1x!tpu.dma_semaphore, #tpu.memory_space<semaphore_mem>> -> memref<!tpu.dma_semaphore, #tpu.memory_space<semaphore_mem>>
    tpu.wait_indirect_dma semaphore(%dma_wait3A_39 : memref<!tpu.dma_semaphore, #tpu.memory_space<semaphore_mem>>) src(%dma_wait3A_37 : memref<8192x256xf32, #tpu.memory_space<hbm>>) dst(%dma_wait3A_32 : memref<128x256xf32, #tpu.memory_space<vmem>>)
    %add3A_40 = arith.constant 0 : i32
    %add3A_41 = arith.addi %mul3A_2, %add3A_40 : i32
    %dma_start3A_42 = arith.constant 0 : i32
    %dma_start3A_43 = arith.constant 0 : i32
    %dma_start3A_44 = arith.constant 0 : i32
    %dma_start3A_45 = arith.constant 0 : i32
    %dma_start3A_46 = tpu.memref_slice %arg6[%dma_start3A_42, %dma_start3A_44, %dma_start3A_45] : memref<3x128x256xf32, #tpu.memory_space<vmem>> -> memref<1x128x256xf32, #tpu.memory_space<vmem>>
    %dma_start3A_47 = tpu.memref_squeeze %dma_start3A_46 : memref<1x128x256xf32, #tpu.memory_space<vmem>> -> memref<128x256xf32, #tpu.memory_space<vmem>>
    %dma_start3A_48 = arith.constant 0 : i32
    %dma_start3A_49 = tpu.memref_slice %arg4[%add3A_41, %dma_start3A_48] : memref<32768x256xf32, #tpu.memory_space<hbm>> -> memref<128x256xf32, #tpu.memory_space<hbm>>
    %dma_start3A_50 = tpu.memref_slice %arg8[%dma_start3A_43] : memref<3x!tpu.dma_semaphore, #tpu.memory_space<semaphore_mem>> -> memref<1x!tpu.dma_semaphore, #tpu.memory_space<semaphore_mem>>
    %dma_start3A_51 = tpu.memref_squeeze %dma_start3A_50 : memref<1x!tpu.dma_semaphore, #tpu.memory_space<semaphore_mem>> -> memref<!tpu.dma_semaphore, #tpu.memory_space<semaphore_mem>>
    %dma_start3A_52 = arith.constant 0 : i32
    %dma_start3A_53 = tpu.memref_slice %arg4[%add3A_41, %dma_start3A_52] : memref<32768x256xf32, #tpu.memory_space<hbm>> -> memref<128x256xf32, #tpu.memory_space<hbm>>
    %dma_start3A_54 = arith.constant 0 : i32
    %dma_start3A_55 = arith.constant 0 : i32
    %dma_start3A_56 = tpu.memref_slice %arg6[%dma_start3A_42, %dma_start3A_54, %dma_start3A_55] : memref<3x128x256xf32, #tpu.memory_space<vmem>> -> memref<1x128x256xf32, #tpu.memory_space<vmem>>
    %dma_start3A_57 = tpu.memref_squeeze %dma_start3A_56 : memref<1x128x256xf32, #tpu.memory_space<vmem>> -> memref<128x256xf32, #tpu.memory_space<vmem>>
    tpu.enqueue_dma source(%dma_start3A_57 : memref<128x256xf32, #tpu.memory_space<vmem>>) target(%dma_start3A_53 : memref<128x256xf32, #tpu.memory_space<hbm>>) target_semaphore(%dma_start3A_51 : memref<!tpu.dma_semaphore, #tpu.memory_space<semaphore_mem>>)
    %dma_start3A_58 = arith.constant 2 : i32
    %dma_start3A_59 = arith.constant 2 : i32
    %dma_start3A_60 = arith.constant 0 : i32
    %dma_start3A_61 = arith.constant 0 : i32
    %dma_start3A_62 = tpu.memref_slice %arg6[%dma_start3A_58, %dma_start3A_60, %dma_start3A_61] : memref<3x128x256xf32, #tpu.memory_space<vmem>> -> memref<1x128x256xf32, #tpu.memory_space<vmem>>
    %dma_start3A_63 = tpu.memref_squeeze %dma_start3A_62 : memref<1x128x256xf32, #tpu.memory_space<vmem>> -> memref<128x256xf32, #tpu.memory_space<vmem>>
    %dma_start3A_64 = arith.constant 256 : i32
    %dma_start3A_65 = tpu.memref_slice %arg5[%dma_start3A_64] : memref<1024xi32, #tpu.memory_space<vmem>> -> memref<128xi32, #tpu.memory_space<vmem>>
    %dma_start3A_66 = arith.constant 0 : i32
    %dma_start3A_67 = arith.constant 0 : i32
    %dma_start3A_68 = tpu.memref_slice %arg2[%dma_start3A_66, %dma_start3A_67] : memref<8192x256xf32, #tpu.memory_space<hbm>> -> memref<8192x256xf32, #tpu.memory_space<hbm>>
    %dma_start3A_69 = tpu.memref_slice %arg7[%dma_start3A_59] : memref<3x!tpu.dma_semaphore, #tpu.memory_space<semaphore_mem>> -> memref<1x!tpu.dma_semaphore, #tpu.memory_space<semaphore_mem>>
    %dma_start3A_70 = tpu.memref_squeeze %dma_start3A_69 : memref<1x!tpu.dma_semaphore, #tpu.memory_space<semaphore_mem>> -> memref<!tpu.dma_semaphore, #tpu.memory_space<semaphore_mem>>
    tpu.enqueue_indirect_dma source(%dma_start3A_68 : memref<8192x256xf32, #tpu.memory_space<hbm>>) target(%dma_start3A_63 : memref<128x256xf32, #tpu.memory_space<vmem>>) offsets(%dma_start3A_65 : memref<128xi32, #tpu.memory_space<vmem>>) semaphore(%dma_start3A_70 : memref<!tpu.dma_semaphore, #tpu.memory_space<semaphore_mem>>)
    %dma_wait3A_71 = arith.constant 1 : i32
    %dma_wait3A_72 = arith.constant 1 : i32
    %dma_wait3A_73 = arith.constant 0 : i32
    %dma_wait3A_74 = arith.constant 0 : i32
    %dma_wait3A_75 = tpu.memref_slice %arg6[%dma_wait3A_71, %dma_wait3A_73, %dma_wait3A_74] : memref<3x128x256xf32, #tpu.memory_space<vmem>> -> memref<1x128x256xf32, #tpu.memory_space<vmem>>
    %dma_wait3A_76 = tpu.memref_squeeze %dma_wait3A_75 : memref<1x128x256xf32, #tpu.memory_space<vmem>> -> memref<128x256xf32, #tpu.memory_space<vmem>>
    %dma_wait3A_77 = arith.constant 128 : i32
    %dma_wait3A_78 = tpu.memref_slice %arg5[%dma_wait3A_77] : memref<1024xi32, #tpu.memory_space<vmem>> -> memref<128xi32, #tpu.memory_space<vmem>>
    %dma_wait3A_79 = arith.constant 0 : i32
    %dma_wait3A_80 = arith.constant 0 : i32
    %dma_wait3A_81 = tpu.memref_slice %arg2[%dma_wait3A_79, %dma_wait3A_80] : memref<8192x256xf32, #tpu.memory_space<hbm>> -> memref<8192x256xf32, #tpu.memory_space<hbm>>
    %dma_wait3A_82 = tpu.memref_slice %arg7[%dma_wait3A_72] : memref<3x!tpu.dma_semaphore, #tpu.memory_space<semaphore_mem>> -> memref<1x!tpu.dma_semaphore, #tpu.memory_space<semaphore_mem>>
    %dma_wait3A_83 = tpu.memref_squeeze %dma_wait3A_82 : memref<1x!tpu.dma_semaphore, #tpu.memory_space<semaphore_mem>> -> memref<!tpu.dma_semaphore, #tpu.memory_space<semaphore_mem>>
    tpu.wait_indirect_dma semaphore(%dma_wait3A_83 : memref<!tpu.dma_semaphore, #tpu.memory_space<semaphore_mem>>) src(%dma_wait3A_81 : memref<8192x256xf32, #tpu.memory_space<hbm>>) dst(%dma_wait3A_76 : memref<128x256xf32, #tpu.memory_space<vmem>>)
    %add3A_84 = arith.constant 128 : i32
    %add3A_85 = arith.addi %mul3A_2, %add3A_84 : i32
    %dma_start3A_86 = arith.constant 1 : i32
    %dma_start3A_87 = arith.constant 1 : i32
    %dma_start3A_88 = arith.constant 0 : i32
    %dma_start3A_89 = arith.constant 0 : i32
    %dma_start3A_90 = tpu.memref_slice %arg6[%dma_start3A_86, %dma_start3A_88, %dma_start3A_89] : memref<3x128x256xf32, #tpu.memory_space<vmem>> -> memref<1x128x256xf32, #tpu.memory_space<vmem>>
    %dma_start3A_91 = tpu.memref_squeeze %dma_start3A_90 : memref<1x128x256xf32, #tpu.memory_space<vmem>> -> memref<128x256xf32, #tpu.memory_space<vmem>>
    %dma_start3A_92 = arith.constant 0 : i32
    %dma_start3A_93 = tpu.memref_slice %arg4[%add3A_85, %dma_start3A_92] : memref<32768x256xf32, #tpu.memory_space<hbm>> -> memref<128x256xf32, #tpu.memory_space<hbm>>
    %dma_start3A_94 = tpu.memref_slice %arg8[%dma_start3A_87] : memref<3x!tpu.dma_semaphore, #tpu.memory_space<semaphore_mem>> -> memref<1x!tpu.dma_semaphore, #tpu.memory_space<semaphore_mem>>
    %dma_start3A_95 = tpu.memref_squeeze %dma_start3A_94 : memref<1x!tpu.dma_semaphore, #tpu.memory_space<semaphore_mem>> -> memref<!tpu.dma_semaphore, #tpu.memory_space<semaphore_mem>>
    %dma_start3A_96 = arith.constant 0 : i32
    %dma_start3A_97 = tpu.memref_slice %arg4[%add3A_85, %dma_start3A_96] : memref<32768x256xf32, #tpu.memory_space<hbm>> -> memref<128x256xf32, #tpu.memory_space<hbm>>
    %dma_start3A_98 = arith.constant 0 : i32
    %dma_start3A_99 = arith.constant 0 : i32
    %dma_start3A_100 = tpu.memref_slice %arg6[%dma_start3A_86, %dma_start3A_98, %dma_start3A_99] : memref<3x128x256xf32, #tpu.memory_space<vmem>> -> memref<1x128x256xf32, #tpu.memory_space<vmem>>
    %dma_start3A_101 = tpu.memref_squeeze %dma_start3A_100 : memref<1x128x256xf32, #tpu.memory_space<vmem>> -> memref<128x256xf32, #tpu.memory_space<vmem>>
    tpu.enqueue_dma source(%dma_start3A_101 : memref<128x256xf32, #tpu.memory_space<vmem>>) target(%dma_start3A_97 : memref<128x256xf32, #tpu.memory_space<hbm>>) target_semaphore(%dma_start3A_95 : memref<!tpu.dma_semaphore, #tpu.memory_space<semaphore_mem>>)
    %dma_wait3A_102 = arith.constant 0 : i32
    %dma_wait3A_103 = arith.constant 0 : i32
    %dma_wait3A_104 = arith.constant 0 : i32
    %dma_wait3A_105 = arith.constant 0 : i32
    %dma_wait3A_106 = tpu.memref_slice %arg6[%dma_wait3A_102, %dma_wait3A_104, %dma_wait3A_105] : memref<3x128x256xf32, #tpu.memory_space<vmem>> -> memref<1x128x256xf32, #tpu.memory_space<vmem>>
    %dma_wait3A_107 = tpu.memref_squeeze %dma_wait3A_106 : memref<1x128x256xf32, #tpu.memory_space<vmem>> -> memref<128x256xf32, #tpu.memory_space<vmem>>
    %dma_wait3A_108 = arith.constant 0 : i32
    %dma_wait3A_109 = tpu.memref_slice %arg4[%add3A_41, %dma_wait3A_108] : memref<32768x256xf32, #tpu.memory_space<hbm>> -> memref<128x256xf32, #tpu.memory_space<hbm>>
    %dma_wait3A_110 = tpu.memref_slice %arg8[%dma_wait3A_103] : memref<3x!tpu.dma_semaphore, #tpu.memory_space<semaphore_mem>> -> memref<1x!tpu.dma_semaphore, #tpu.memory_space<semaphore_mem>>
    %dma_wait3A_111 = tpu.memref_squeeze %dma_wait3A_110 : memref<1x!tpu.dma_semaphore, #tpu.memory_space<semaphore_mem>> -> memref<!tpu.dma_semaphore, #tpu.memory_space<semaphore_mem>>
    %dma_wait3A_112 = arith.constant 0 : i32
    %dma_wait3A_113 = tpu.memref_slice %arg4[%add3A_41, %dma_wait3A_112] : memref<32768x256xf32, #tpu.memory_space<hbm>> -> memref<128x256xf32, #tpu.memory_space<hbm>>
    %dma_wait3A_114 = arith.constant 0 : i32
    %dma_wait3A_115 = arith.constant 0 : i32
    %dma_wait3A_116 = tpu.memref_slice %arg6[%dma_wait3A_102, %dma_wait3A_114, %dma_wait3A_115] : memref<3x128x256xf32, #tpu.memory_space<vmem>> -> memref<1x128x256xf32, #tpu.memory_space<vmem>>
    %dma_wait3A_117 = tpu.memref_squeeze %dma_wait3A_116 : memref<1x128x256xf32, #tpu.memory_space<vmem>> -> memref<128x256xf32, #tpu.memory_space<vmem>>
    tpu.wait_dma2 semaphore(%dma_wait3A_111 : memref<!tpu.dma_semaphore, #tpu.memory_space<semaphore_mem>>) src(%dma_wait3A_117 : memref<128x256xf32, #tpu.memory_space<vmem>>) dst(%dma_wait3A_113 : memref<128x256xf32, #tpu.memory_space<hbm>>)
    %dma_start3A_118 = arith.constant 0 : i32
    %dma_start3A_119 = arith.constant 0 : i32
    %dma_start3A_120 = arith.constant 0 : i32
    %dma_start3A_121 = arith.constant 0 : i32
    %dma_start3A_122 = tpu.memref_slice %arg6[%dma_start3A_118, %dma_start3A_120, %dma_start3A_121] : memref<3x128x256xf32, #tpu.memory_space<vmem>> -> memref<1x128x256xf32, #tpu.memory_space<vmem>>
    %dma_start3A_123 = tpu.memref_squeeze %dma_start3A_122 : memref<1x128x256xf32, #tpu.memory_space<vmem>> -> memref<128x256xf32, #tpu.memory_space<vmem>>
    %dma_start3A_124 = arith.constant 384 : i32
    %dma_start3A_125 = tpu.memref_slice %arg5[%dma_start3A_124] : memref<1024xi32, #tpu.memory_space<vmem>> -> memref<128xi32, #tpu.memory_space<vmem>>
    %dma_start3A_126 = arith.constant 0 : i32
    %dma_start3A_127 = arith.constant 0 : i32
    %dma_start3A_128 = tpu.memref_slice %arg2[%dma_start3A_126, %dma_start3A_127] : memref<8192x256xf32, #tpu.memory_space<hbm>> -> memref<8192x256xf32, #tpu.memory_space<hbm>>
    %dma_start3A_129 = tpu.memref_slice %arg7[%dma_start3A_119] : memref<3x!tpu.dma_semaphore, #tpu.memory_space<semaphore_mem>> -> memref<1x!tpu.dma_semaphore, #tpu.memory_space<semaphore_mem>>
    %dma_start3A_130 = tpu.memref_squeeze %dma_start3A_129 : memref<1x!tpu.dma_semaphore, #tpu.memory_space<semaphore_mem>> -> memref<!tpu.dma_semaphore, #tpu.memory_space<semaphore_mem>>
    tpu.enqueue_indirect_dma source(%dma_start3A_128 : memref<8192x256xf32, #tpu.memory_space<hbm>>) target(%dma_start3A_123 : memref<128x256xf32, #tpu.memory_space<vmem>>) offsets(%dma_start3A_125 : memref<128xi32, #tpu.memory_space<vmem>>) semaphore(%dma_start3A_130 : memref<!tpu.dma_semaphore, #tpu.memory_space<semaphore_mem>>)
    %dma_wait3A_131 = arith.constant 2 : i32
    %dma_wait3A_132 = arith.constant 2 : i32
    %dma_wait3A_133 = arith.constant 0 : i32
    %dma_wait3A_134 = arith.constant 0 : i32
    %dma_wait3A_135 = tpu.memref_slice %arg6[%dma_wait3A_131, %dma_wait3A_133, %dma_wait3A_134] : memref<3x128x256xf32, #tpu.memory_space<vmem>> -> memref<1x128x256xf32, #tpu.memory_space<vmem>>
    %dma_wait3A_136 = tpu.memref_squeeze %dma_wait3A_135 : memref<1x128x256xf32, #tpu.memory_space<vmem>> -> memref<128x256xf32, #tpu.memory_space<vmem>>
    %dma_wait3A_137 = arith.constant 256 : i32
    %dma_wait3A_138 = tpu.memref_slice %arg5[%dma_wait3A_137] : memref<1024xi32, #tpu.memory_space<vmem>> -> memref<128xi32, #tpu.memory_space<vmem>>
    %dma_wait3A_139 = arith.constant 0 : i32
    %dma_wait3A_140 = arith.constant 0 : i32
    %dma_wait3A_141 = tpu.memref_slice %arg2[%dma_wait3A_139, %dma_wait3A_140] : memref<8192x256xf32, #tpu.memory_space<hbm>> -> memref<8192x256xf32, #tpu.memory_space<hbm>>
    %dma_wait3A_142 = tpu.memref_slice %arg7[%dma_wait3A_132] : memref<3x!tpu.dma_semaphore, #tpu.memory_space<semaphore_mem>> -> memref<1x!tpu.dma_semaphore, #tpu.memory_space<semaphore_mem>>
    %dma_wait3A_143 = tpu.memref_squeeze %dma_wait3A_142 : memref<1x!tpu.dma_semaphore, #tpu.memory_space<semaphore_mem>> -> memref<!tpu.dma_semaphore, #tpu.memory_space<semaphore_mem>>
    tpu.wait_indirect_dma semaphore(%dma_wait3A_143 : memref<!tpu.dma_semaphore, #tpu.memory_space<semaphore_mem>>) src(%dma_wait3A_141 : memref<8192x256xf32, #tpu.memory_space<hbm>>) dst(%dma_wait3A_136 : memref<128x256xf32, #tpu.memory_space<vmem>>)
    %add3A_144 = arith.constant 256 : i32
    %add3A_145 = arith.addi %mul3A_2, %add3A_144 : i32
    %dma_start3A_146 = arith.constant 2 : i32
    %dma_start3A_147 = arith.constant 2 : i32
    %dma_start3A_148 = arith.constant 0 : i32
    %dma_start3A_149 = arith.constant 0 : i32
    %dma_start3A_150 = tpu.memref_slice %arg6[%dma_start3A_146, %dma_start3A_148, %dma_start3A_149] : memref<3x128x256xf32, #tpu.memory_space<vmem>> -> memref<1x128x256xf32, #tpu.memory_space<vmem>>
    %dma_start3A_151 = tpu.memref_squeeze %dma_start3A_150 : memref<1x128x256xf32, #tpu.memory_space<vmem>> -> memref<128x256xf32, #tpu.memory_space<vmem>>
    %dma_start3A_152 = arith.constant 0 : i32
    %dma_start3A_153 = tpu.memref_slice %arg4[%add3A_145, %dma_start3A_152] : memref<32768x256xf32, #tpu.memory_space<hbm>> -> memref<128x256xf32, #tpu.memory_space<hbm>>
    %dma_start3A_154 = tpu.memref_slice %arg8[%dma_start3A_147] : memref<3x!tpu.dma_semaphore, #tpu.memory_space<semaphore_mem>> -> memref<1x!tpu.dma_semaphore, #tpu.memory_space<semaphore_mem>>
    %dma_start3A_155 = tpu.memref_squeeze %dma_start3A_154 : memref<1x!tpu.dma_semaphore, #tpu.memory_space<semaphore_mem>> -> memref<!tpu.dma_semaphore, #tpu.memory_space<semaphore_mem>>
    %dma_start3A_156 = arith.constant 0 : i32
    %dma_start3A_157 = tpu.memref_slice %arg4[%add3A_145, %dma_start3A_156] : memref<32768x256xf32, #tpu.memory_space<hbm>> -> memref<128x256xf32, #tpu.memory_space<hbm>>
    %dma_start3A_158 = arith.constant 0 : i32
    %dma_start3A_159 = arith.constant 0 : i32
    %dma_start3A_160 = tpu.memref_slice %arg6[%dma_start3A_146, %dma_start3A_158, %dma_start3A_159] : memref<3x128x256xf32, #tpu.memory_space<vmem>> -> memref<1x128x256xf32, #tpu.memory_space<vmem>>
    %dma_start3A_161 = tpu.memref_squeeze %dma_start3A_160 : memref<1x128x256xf32, #tpu.memory_space<vmem>> -> memref<128x256xf32, #tpu.memory_space<vmem>>
    tpu.enqueue_dma source(%dma_start3A_161 : memref<128x256xf32, #tpu.memory_space<vmem>>) target(%dma_start3A_157 : memref<128x256xf32, #tpu.memory_space<hbm>>) target_semaphore(%dma_start3A_155 : memref<!tpu.dma_semaphore, #tpu.memory_space<semaphore_mem>>)
    %dma_wait3A_162 = arith.constant 1 : i32
    %dma_wait3A_163 = arith.constant 1 : i32
    %dma_wait3A_164 = arith.constant 0 : i32
    %dma_wait3A_165 = arith.constant 0 : i32
    %dma_wait3A_166 = tpu.memref_slice %arg6[%dma_wait3A_162, %dma_wait3A_164, %dma_wait3A_165] : memref<3x128x256xf32, #tpu.memory_space<vmem>> -> memref<1x128x256xf32, #tpu.memory_space<vmem>>
    %dma_wait3A_167 = tpu.memref_squeeze %dma_wait3A_166 : memref<1x128x256xf32, #tpu.memory_space<vmem>> -> memref<128x256xf32, #tpu.memory_space<vmem>>
    %dma_wait3A_168 = arith.constant 0 : i32
    %dma_wait3A_169 = tpu.memref_slice %arg4[%add3A_85, %dma_wait3A_168] : memref<32768x256xf32, #tpu.memory_space<hbm>> -> memref<128x256xf32, #tpu.memory_space<hbm>>
    %dma_wait3A_170 = tpu.memref_slice %arg8[%dma_wait3A_163] : memref<3x!tpu.dma_semaphore, #tpu.memory_space<semaphore_mem>> -> memref<1x!tpu.dma_semaphore, #tpu.memory_space<semaphore_mem>>
    %dma_wait3A_171 = tpu.memref_squeeze %dma_wait3A_170 : memref<1x!tpu.dma_semaphore, #tpu.memory_space<semaphore_mem>> -> memref<!tpu.dma_semaphore, #tpu.memory_space<semaphore_mem>>
    %dma_wait3A_172 = arith.constant 0 : i32
    %dma_wait3A_173 = tpu.memref_slice %arg4[%add3A_85, %dma_wait3A_172] : memref<32768x256xf32, #tpu.memory_space<hbm>> -> memref<128x256xf32, #tpu.memory_space<hbm>>
    %dma_wait3A_174 = arith.constant 0 : i32
    %dma_wait3A_175 = arith.constant 0 : i32
    %dma_wait3A_176 = tpu.memref_slice %arg6[%dma_wait3A_162, %dma_wait3A_174, %dma_wait3A_175] : memref<3x128x256xf32, #tpu.memory_space<vmem>> -> memref<1x128x256xf32, #tpu.memory_space<vmem>>
    %dma_wait3A_177 = tpu.memref_squeeze %dma_wait3A_176 : memref<1x128x256xf32, #tpu.memory_space<vmem>> -> memref<128x256xf32, #tpu.memory_space<vmem>>
    tpu.wait_dma2 semaphore(%dma_wait3A_171 : memref<!tpu.dma_semaphore, #tpu.memory_space<semaphore_mem>>) src(%dma_wait3A_177 : memref<128x256xf32, #tpu.memory_space<vmem>>) dst(%dma_wait3A_173 : memref<128x256xf32, #tpu.memory_space<hbm>>)
    %dma_start3A_178 = arith.constant 1 : i32
    %dma_start3A_179 = arith.constant 1 : i32
    %dma_start3A_180 = arith.constant 0 : i32
    %dma_start3A_181 = arith.constant 0 : i32
    %dma_start3A_182 = tpu.memref_slice %arg6[%dma_start3A_178, %dma_start3A_180, %dma_start3A_181] : memref<3x128x256xf32, #tpu.memory_space<vmem>> -> memref<1x128x256xf32, #tpu.memory_space<vmem>>
    %dma_start3A_183 = tpu.memref_squeeze %dma_start3A_182 : memref<1x128x256xf32, #tpu.memory_space<vmem>> -> memref<128x256xf32, #tpu.memory_space<vmem>>
    %dma_start3A_184 = arith.constant 512 : i32
    %dma_start3A_185 = tpu.memref_slice %arg5[%dma_start3A_184] : memref<1024xi32, #tpu.memory_space<vmem>> -> memref<128xi32, #tpu.memory_space<vmem>>
    %dma_start3A_186 = arith.constant 0 : i32
    %dma_start3A_187 = arith.constant 0 : i32
    %dma_start3A_188 = tpu.memref_slice %arg2[%dma_start3A_186, %dma_start3A_187] : memref<8192x256xf32, #tpu.memory_space<hbm>> -> memref<8192x256xf32, #tpu.memory_space<hbm>>
    %dma_start3A_189 = tpu.memref_slice %arg7[%dma_start3A_179] : memref<3x!tpu.dma_semaphore, #tpu.memory_space<semaphore_mem>> -> memref<1x!tpu.dma_semaphore, #tpu.memory_space<semaphore_mem>>
    %dma_start3A_190 = tpu.memref_squeeze %dma_start3A_189 : memref<1x!tpu.dma_semaphore, #tpu.memory_space<semaphore_mem>> -> memref<!tpu.dma_semaphore, #tpu.memory_space<semaphore_mem>>
    tpu.enqueue_indirect_dma source(%dma_start3A_188 : memref<8192x256xf32, #tpu.memory_space<hbm>>) target(%dma_start3A_183 : memref<128x256xf32, #tpu.memory_space<vmem>>) offsets(%dma_start3A_185 : memref<128xi32, #tpu.memory_space<vmem>>) semaphore(%dma_start3A_190 : memref<!tpu.dma_semaphore, #tpu.memory_space<semaphore_mem>>)
    %dma_wait3A_191 = arith.constant 0 : i32
    %dma_wait3A_192 = arith.constant 0 : i32
    %dma_wait3A_193 = arith.constant 0 : i32
    %dma_wait3A_194 = arith.constant 0 : i32
    %dma_wait3A_195 = tpu.memref_slice %arg6[%dma_wait3A_191, %dma_wait3A_193, %dma_wait3A_194] : memref<3x128x256xf32, #tpu.memory_space<vmem>> -> memref<1x128x256xf32, #tpu.memory_space<vmem>>
    %dma_wait3A_196 = tpu.memref_squeeze %dma_wait3A_195 : memref<1x128x256xf32, #tpu.memory_space<vmem>> -> memref<128x256xf32, #tpu.memory_space<vmem>>
    %dma_wait3A_197 = arith.constant 384 : i32
    %dma_wait3A_198 = tpu.memref_slice %arg5[%dma_wait3A_197] : memref<1024xi32, #tpu.memory_space<vmem>> -> memref<128xi32, #tpu.memory_space<vmem>>
    %dma_wait3A_199 = arith.constant 0 : i32
    %dma_wait3A_200 = arith.constant 0 : i32
    %dma_wait3A_201 = tpu.memref_slice %arg2[%dma_wait3A_199, %dma_wait3A_200] : memref<8192x256xf32, #tpu.memory_space<hbm>> -> memref<8192x256xf32, #tpu.memory_space<hbm>>
    %dma_wait3A_202 = tpu.memref_slice %arg7[%dma_wait3A_192] : memref<3x!tpu.dma_semaphore, #tpu.memory_space<semaphore_mem>> -> memref<1x!tpu.dma_semaphore, #tpu.memory_space<semaphore_mem>>
    %dma_wait3A_203 = tpu.memref_squeeze %dma_wait3A_202 : memref<1x!tpu.dma_semaphore, #tpu.memory_space<semaphore_mem>> -> memref<!tpu.dma_semaphore, #tpu.memory_space<semaphore_mem>>
    tpu.wait_indirect_dma semaphore(%dma_wait3A_203 : memref<!tpu.dma_semaphore, #tpu.memory_space<semaphore_mem>>) src(%dma_wait3A_201 : memref<8192x256xf32, #tpu.memory_space<hbm>>) dst(%dma_wait3A_196 : memref<128x256xf32, #tpu.memory_space<vmem>>)
    %add3A_204 = arith.constant 384 : i32
    %add3A_205 = arith.addi %mul3A_2, %add3A_204 : i32
    %dma_start3A_206 = arith.constant 0 : i32
    %dma_start3A_207 = arith.constant 0 : i32
    %dma_start3A_208 = arith.constant 0 : i32
    %dma_start3A_209 = arith.constant 0 : i32
    %dma_start3A_210 = tpu.memref_slice %arg6[%dma_start3A_206, %dma_start3A_208, %dma_start3A_209] : memref<3x128x256xf32, #tpu.memory_space<vmem>> -> memref<1x128x256xf32, #tpu.memory_space<vmem>>
    %dma_start3A_211 = tpu.memref_squeeze %dma_start3A_210 : memref<1x128x256xf32, #tpu.memory_space<vmem>> -> memref<128x256xf32, #tpu.memory_space<vmem>>
    %dma_start3A_212 = arith.constant 0 : i32
    %dma_start3A_213 = tpu.memref_slice %arg4[%add3A_205, %dma_start3A_212] : memref<32768x256xf32, #tpu.memory_space<hbm>> -> memref<128x256xf32, #tpu.memory_space<hbm>>
    %dma_start3A_214 = tpu.memref_slice %arg8[%dma_start3A_207] : memref<3x!tpu.dma_semaphore, #tpu.memory_space<semaphore_mem>> -> memref<1x!tpu.dma_semaphore, #tpu.memory_space<semaphore_mem>>
    %dma_start3A_215 = tpu.memref_squeeze %dma_start3A_214 : memref<1x!tpu.dma_semaphore, #tpu.memory_space<semaphore_mem>> -> memref<!tpu.dma_semaphore, #tpu.memory_space<semaphore_mem>>
    %dma_start3A_216 = arith.constant 0 : i32
    %dma_start3A_217 = tpu.memref_slice %arg4[%add3A_205, %dma_start3A_216] : memref<32768x256xf32, #tpu.memory_space<hbm>> -> memref<128x256xf32, #tpu.memory_space<hbm>>
    %dma_start3A_218 = arith.constant 0 : i32
    %dma_start3A_219 = arith.constant 0 : i32
    %dma_start3A_220 = tpu.memref_slice %arg6[%dma_start3A_206, %dma_start3A_218, %dma_start3A_219] : memref<3x128x256xf32, #tpu.memory_space<vmem>> -> memref<1x128x256xf32, #tpu.memory_space<vmem>>
    %dma_start3A_221 = tpu.memref_squeeze %dma_start3A_220 : memref<1x128x256xf32, #tpu.memory_space<vmem>> -> memref<128x256xf32, #tpu.memory_space<vmem>>
    tpu.enqueue_dma source(%dma_start3A_221 : memref<128x256xf32, #tpu.memory_space<vmem>>) target(%dma_start3A_217 : memref<128x256xf32, #tpu.memory_space<hbm>>) target_semaphore(%dma_start3A_215 : memref<!tpu.dma_semaphore, #tpu.memory_space<semaphore_mem>>)
    %dma_wait3A_222 = arith.constant 2 : i32
    %dma_wait3A_223 = arith.constant 2 : i32
    %dma_wait3A_224 = arith.constant 0 : i32
    %dma_wait3A_225 = arith.constant 0 : i32
    %dma_wait3A_226 = tpu.memref_slice %arg6[%dma_wait3A_222, %dma_wait3A_224, %dma_wait3A_225] : memref<3x128x256xf32, #tpu.memory_space<vmem>> -> memref<1x128x256xf32, #tpu.memory_space<vmem>>
    %dma_wait3A_227 = tpu.memref_squeeze %dma_wait3A_226 : memref<1x128x256xf32, #tpu.memory_space<vmem>> -> memref<128x256xf32, #tpu.memory_space<vmem>>
    %dma_wait3A_228 = arith.constant 0 : i32
    %dma_wait3A_229 = tpu.memref_slice %arg4[%add3A_145, %dma_wait3A_228] : memref<32768x256xf32, #tpu.memory_space<hbm>> -> memref<128x256xf32, #tpu.memory_space<hbm>>
    %dma_wait3A_230 = tpu.memref_slice %arg8[%dma_wait3A_223] : memref<3x!tpu.dma_semaphore, #tpu.memory_space<semaphore_mem>> -> memref<1x!tpu.dma_semaphore, #tpu.memory_space<semaphore_mem>>
    %dma_wait3A_231 = tpu.memref_squeeze %dma_wait3A_230 : memref<1x!tpu.dma_semaphore, #tpu.memory_space<semaphore_mem>> -> memref<!tpu.dma_semaphore, #tpu.memory_space<semaphore_mem>>
    %dma_wait3A_232 = arith.constant 0 : i32
    %dma_wait3A_233 = tpu.memref_slice %arg4[%add3A_145, %dma_wait3A_232] : memref<32768x256xf32, #tpu.memory_space<hbm>> -> memref<128x256xf32, #tpu.memory_space<hbm>>
    %dma_wait3A_234 = arith.constant 0 : i32
    %dma_wait3A_235 = arith.constant 0 : i32
    %dma_wait3A_236 = tpu.memref_slice %arg6[%dma_wait3A_222, %dma_wait3A_234, %dma_wait3A_235] : memref<3x128x256xf32, #tpu.memory_space<vmem>> -> memref<1x128x256xf32, #tpu.memory_space<vmem>>
    %dma_wait3A_237 = tpu.memref_squeeze %dma_wait3A_236 : memref<1x128x256xf32, #tpu.memory_space<vmem>> -> memref<128x256xf32, #tpu.memory_space<vmem>>
    tpu.wait_dma2 semaphore(%dma_wait3A_231 : memref<!tpu.dma_semaphore, #tpu.memory_space<semaphore_mem>>) src(%dma_wait3A_237 : memref<128x256xf32, #tpu.memory_space<vmem>>) dst(%dma_wait3A_233 : memref<128x256xf32, #tpu.memory_space<hbm>>)
    %dma_start3A_238 = arith.constant 2 : i32
    %dma_start3A_239 = arith.constant 2 : i32
    %dma_start3A_240 = arith.constant 0 : i32
    %dma_start3A_241 = arith.constant 0 : i32
    %dma_start3A_242 = tpu.memref_slice %arg6[%dma_start3A_238, %dma_start3A_240, %dma_start3A_241] : memref<3x128x256xf32, #tpu.memory_space<vmem>> -> memref<1x128x256xf32, #tpu.memory_space<vmem>>
    %dma_start3A_243 = tpu.memref_squeeze %dma_start3A_242 : memref<1x128x256xf32, #tpu.memory_space<vmem>> -> memref<128x256xf32, #tpu.memory_space<vmem>>
    %dma_start3A_244 = arith.constant 640 : i32
    %dma_start3A_245 = tpu.memref_slice %arg5[%dma_start3A_244] : memref<1024xi32, #tpu.memory_space<vmem>> -> memref<128xi32, #tpu.memory_space<vmem>>
    %dma_start3A_246 = arith.constant 0 : i32
    %dma_start3A_247 = arith.constant 0 : i32
    %dma_start3A_248 = tpu.memref_slice %arg2[%dma_start3A_246, %dma_start3A_247] : memref<8192x256xf32, #tpu.memory_space<hbm>> -> memref<8192x256xf32, #tpu.memory_space<hbm>>
    %dma_start3A_249 = tpu.memref_slice %arg7[%dma_start3A_239] : memref<3x!tpu.dma_semaphore, #tpu.memory_space<semaphore_mem>> -> memref<1x!tpu.dma_semaphore, #tpu.memory_space<semaphore_mem>>
    %dma_start3A_250 = tpu.memref_squeeze %dma_start3A_249 : memref<1x!tpu.dma_semaphore, #tpu.memory_space<semaphore_mem>> -> memref<!tpu.dma_semaphore, #tpu.memory_space<semaphore_mem>>
    tpu.enqueue_indirect_dma source(%dma_start3A_248 : memref<8192x256xf32, #tpu.memory_space<hbm>>) target(%dma_start3A_243 : memref<128x256xf32, #tpu.memory_space<vmem>>) offsets(%dma_start3A_245 : memref<128xi32, #tpu.memory_space<vmem>>) semaphore(%dma_start3A_250 : memref<!tpu.dma_semaphore, #tpu.memory_space<semaphore_mem>>)
    %dma_wait3A_251 = arith.constant 1 : i32
    %dma_wait3A_252 = arith.constant 1 : i32
    %dma_wait3A_253 = arith.constant 0 : i32
    %dma_wait3A_254 = arith.constant 0 : i32
    %dma_wait3A_255 = tpu.memref_slice %arg6[%dma_wait3A_251, %dma_wait3A_253, %dma_wait3A_254] : memref<3x128x256xf32, #tpu.memory_space<vmem>> -> memref<1x128x256xf32, #tpu.memory_space<vmem>>
    %dma_wait3A_256 = tpu.memref_squeeze %dma_wait3A_255 : memref<1x128x256xf32, #tpu.memory_space<vmem>> -> memref<128x256xf32, #tpu.memory_space<vmem>>
    %dma_wait3A_257 = arith.constant 512 : i32
    %dma_wait3A_258 = tpu.memref_slice %arg5[%dma_wait3A_257] : memref<1024xi32, #tpu.memory_space<vmem>> -> memref<128xi32, #tpu.memory_space<vmem>>
    %dma_wait3A_259 = arith.constant 0 : i32
    %dma_wait3A_260 = arith.constant 0 : i32
    %dma_wait3A_261 = tpu.memref_slice %arg2[%dma_wait3A_259, %dma_wait3A_260] : memref<8192x256xf32, #tpu.memory_space<hbm>> -> memref<8192x256xf32, #tpu.memory_space<hbm>>
    %dma_wait3A_262 = tpu.memref_slice %arg7[%dma_wait3A_252] : memref<3x!tpu.dma_semaphore, #tpu.memory_space<semaphore_mem>> -> memref<1x!tpu.dma_semaphore, #tpu.memory_space<semaphore_mem>>
    %dma_wait3A_263 = tpu.memref_squeeze %dma_wait3A_262 : memref<1x!tpu.dma_semaphore, #tpu.memory_space<semaphore_mem>> -> memref<!tpu.dma_semaphore, #tpu.memory_space<semaphore_mem>>
    tpu.wait_indirect_dma semaphore(%dma_wait3A_263 : memref<!tpu.dma_semaphore, #tpu.memory_space<semaphore_mem>>) src(%dma_wait3A_261 : memref<8192x256xf32, #tpu.memory_space<hbm>>) dst(%dma_wait3A_256 : memref<128x256xf32, #tpu.memory_space<vmem>>)
    %add3A_264 = arith.constant 512 : i32
    %add3A_265 = arith.addi %mul3A_2, %add3A_264 : i32
    %dma_start3A_266 = arith.constant 1 : i32
    %dma_start3A_267 = arith.constant 1 : i32
    %dma_start3A_268 = arith.constant 0 : i32
    %dma_start3A_269 = arith.constant 0 : i32
    %dma_start3A_270 = tpu.memref_slice %arg6[%dma_start3A_266, %dma_start3A_268, %dma_start3A_269] : memref<3x128x256xf32, #tpu.memory_space<vmem>> -> memref<1x128x256xf32, #tpu.memory_space<vmem>>
    %dma_start3A_271 = tpu.memref_squeeze %dma_start3A_270 : memref<1x128x256xf32, #tpu.memory_space<vmem>> -> memref<128x256xf32, #tpu.memory_space<vmem>>
    %dma_start3A_272 = arith.constant 0 : i32
    %dma_start3A_273 = tpu.memref_slice %arg4[%add3A_265, %dma_start3A_272] : memref<32768x256xf32, #tpu.memory_space<hbm>> -> memref<128x256xf32, #tpu.memory_space<hbm>>
    %dma_start3A_274 = tpu.memref_slice %arg8[%dma_start3A_267] : memref<3x!tpu.dma_semaphore, #tpu.memory_space<semaphore_mem>> -> memref<1x!tpu.dma_semaphore, #tpu.memory_space<semaphore_mem>>
    %dma_start3A_275 = tpu.memref_squeeze %dma_start3A_274 : memref<1x!tpu.dma_semaphore, #tpu.memory_space<semaphore_mem>> -> memref<!tpu.dma_semaphore, #tpu.memory_space<semaphore_mem>>
    %dma_start3A_276 = arith.constant 0 : i32
    %dma_start3A_277 = tpu.memref_slice %arg4[%add3A_265, %dma_start3A_276] : memref<32768x256xf32, #tpu.memory_space<hbm>> -> memref<128x256xf32, #tpu.memory_space<hbm>>
    %dma_start3A_278 = arith.constant 0 : i32
    %dma_start3A_279 = arith.constant 0 : i32
    %dma_start3A_280 = tpu.memref_slice %arg6[%dma_start3A_266, %dma_start3A_278, %dma_start3A_279] : memref<3x128x256xf32, #tpu.memory_space<vmem>> -> memref<1x128x256xf32, #tpu.memory_space<vmem>>
    %dma_start3A_281 = tpu.memref_squeeze %dma_start3A_280 : memref<1x128x256xf32, #tpu.memory_space<vmem>> -> memref<128x256xf32, #tpu.memory_space<vmem>>
    tpu.enqueue_dma source(%dma_start3A_281 : memref<128x256xf32, #tpu.memory_space<vmem>>) target(%dma_start3A_277 : memref<128x256xf32, #tpu.memory_space<hbm>>) target_semaphore(%dma_start3A_275 : memref<!tpu.dma_semaphore, #tpu.memory_space<semaphore_mem>>)
    %dma_wait3A_282 = arith.constant 0 : i32
    %dma_wait3A_283 = arith.constant 0 : i32
    %dma_wait3A_284 = arith.constant 0 : i32
    %dma_wait3A_285 = arith.constant 0 : i32
    %dma_wait3A_286 = tpu.memref_slice %arg6[%dma_wait3A_282, %dma_wait3A_284, %dma_wait3A_285] : memref<3x128x256xf32, #tpu.memory_space<vmem>> -> memref<1x128x256xf32, #tpu.memory_space<vmem>>
    %dma_wait3A_287 = tpu.memref_squeeze %dma_wait3A_286 : memref<1x128x256xf32, #tpu.memory_space<vmem>> -> memref<128x256xf32, #tpu.memory_space<vmem>>
    %dma_wait3A_288 = arith.constant 0 : i32
    %dma_wait3A_289 = tpu.memref_slice %arg4[%add3A_205, %dma_wait3A_288] : memref<32768x256xf32, #tpu.memory_space<hbm>> -> memref<128x256xf32, #tpu.memory_space<hbm>>
    %dma_wait3A_290 = tpu.memref_slice %arg8[%dma_wait3A_283] : memref<3x!tpu.dma_semaphore, #tpu.memory_space<semaphore_mem>> -> memref<1x!tpu.dma_semaphore, #tpu.memory_space<semaphore_mem>>
    %dma_wait3A_291 = tpu.memref_squeeze %dma_wait3A_290 : memref<1x!tpu.dma_semaphore, #tpu.memory_space<semaphore_mem>> -> memref<!tpu.dma_semaphore, #tpu.memory_space<semaphore_mem>>
    %dma_wait3A_292 = arith.constant 0 : i32
    %dma_wait3A_293 = tpu.memref_slice %arg4[%add3A_205, %dma_wait3A_292] : memref<32768x256xf32, #tpu.memory_space<hbm>> -> memref<128x256xf32, #tpu.memory_space<hbm>>
    %dma_wait3A_294 = arith.constant 0 : i32
    %dma_wait3A_295 = arith.constant 0 : i32
    %dma_wait3A_296 = tpu.memref_slice %arg6[%dma_wait3A_282, %dma_wait3A_294, %dma_wait3A_295] : memref<3x128x256xf32, #tpu.memory_space<vmem>> -> memref<1x128x256xf32, #tpu.memory_space<vmem>>
    %dma_wait3A_297 = tpu.memref_squeeze %dma_wait3A_296 : memref<1x128x256xf32, #tpu.memory_space<vmem>> -> memref<128x256xf32, #tpu.memory_space<vmem>>
    tpu.wait_dma2 semaphore(%dma_wait3A_291 : memref<!tpu.dma_semaphore, #tpu.memory_space<semaphore_mem>>) src(%dma_wait3A_297 : memref<128x256xf32, #tpu.memory_space<vmem>>) dst(%dma_wait3A_293 : memref<128x256xf32, #tpu.memory_space<hbm>>)
    %dma_start3A_298 = arith.constant 0 : i32
    %dma_start3A_299 = arith.constant 0 : i32
    %dma_start3A_300 = arith.constant 0 : i32
    %dma_start3A_301 = arith.constant 0 : i32
    %dma_start3A_302 = tpu.memref_slice %arg6[%dma_start3A_298, %dma_start3A_300, %dma_start3A_301] : memref<3x128x256xf32, #tpu.memory_space<vmem>> -> memref<1x128x256xf32, #tpu.memory_space<vmem>>
    %dma_start3A_303 = tpu.memref_squeeze %dma_start3A_302 : memref<1x128x256xf32, #tpu.memory_space<vmem>> -> memref<128x256xf32, #tpu.memory_space<vmem>>
    %dma_start3A_304 = arith.constant 768 : i32
    %dma_start3A_305 = tpu.memref_slice %arg5[%dma_start3A_304] : memref<1024xi32, #tpu.memory_space<vmem>> -> memref<128xi32, #tpu.memory_space<vmem>>
    %dma_start3A_306 = arith.constant 0 : i32
    %dma_start3A_307 = arith.constant 0 : i32
    %dma_start3A_308 = tpu.memref_slice %arg2[%dma_start3A_306, %dma_start3A_307] : memref<8192x256xf32, #tpu.memory_space<hbm>> -> memref<8192x256xf32, #tpu.memory_space<hbm>>
    %dma_start3A_309 = tpu.memref_slice %arg7[%dma_start3A_299] : memref<3x!tpu.dma_semaphore, #tpu.memory_space<semaphore_mem>> -> memref<1x!tpu.dma_semaphore, #tpu.memory_space<semaphore_mem>>
    %dma_start3A_310 = tpu.memref_squeeze %dma_start3A_309 : memref<1x!tpu.dma_semaphore, #tpu.memory_space<semaphore_mem>> -> memref<!tpu.dma_semaphore, #tpu.memory_space<semaphore_mem>>
    tpu.enqueue_indirect_dma source(%dma_start3A_308 : memref<8192x256xf32, #tpu.memory_space<hbm>>) target(%dma_start3A_303 : memref<128x256xf32, #tpu.memory_space<vmem>>) offsets(%dma_start3A_305 : memref<128xi32, #tpu.memory_space<vmem>>) semaphore(%dma_start3A_310 : memref<!tpu.dma_semaphore, #tpu.memory_space<semaphore_mem>>)
    %dma_wait3A_311 = arith.constant 2 : i32
    %dma_wait3A_312 = arith.constant 2 : i32
    %dma_wait3A_313 = arith.constant 0 : i32
    %dma_wait3A_314 = arith.constant 0 : i32
    %dma_wait3A_315 = tpu.memref_slice %arg6[%dma_wait3A_311, %dma_wait3A_313, %dma_wait3A_314] : memref<3x128x256xf32, #tpu.memory_space<vmem>> -> memref<1x128x256xf32, #tpu.memory_space<vmem>>
    %dma_wait3A_316 = tpu.memref_squeeze %dma_wait3A_315 : memref<1x128x256xf32, #tpu.memory_space<vmem>> -> memref<128x256xf32, #tpu.memory_space<vmem>>
    %dma_wait3A_317 = arith.constant 640 : i32
    %dma_wait3A_318 = tpu.memref_slice %arg5[%dma_wait3A_317] : memref<1024xi32, #tpu.memory_space<vmem>> -> memref<128xi32, #tpu.memory_space<vmem>>
    %dma_wait3A_319 = arith.constant 0 : i32
    %dma_wait3A_320 = arith.constant 0 : i32
    %dma_wait3A_321 = tpu.memref_slice %arg2[%dma_wait3A_319, %dma_wait3A_320] : memref<8192x256xf32, #tpu.memory_space<hbm>> -> memref<8192x256xf32, #tpu.memory_space<hbm>>
    %dma_wait3A_322 = tpu.memref_slice %arg7[%dma_wait3A_312] : memref<3x!tpu.dma_semaphore, #tpu.memory_space<semaphore_mem>> -> memref<1x!tpu.dma_semaphore, #tpu.memory_space<semaphore_mem>>
    %dma_wait3A_323 = tpu.memref_squeeze %dma_wait3A_322 : memref<1x!tpu.dma_semaphore, #tpu.memory_space<semaphore_mem>> -> memref<!tpu.dma_semaphore, #tpu.memory_space<semaphore_mem>>
    tpu.wait_indirect_dma semaphore(%dma_wait3A_323 : memref<!tpu.dma_semaphore, #tpu.memory_space<semaphore_mem>>) src(%dma_wait3A_321 : memref<8192x256xf32, #tpu.memory_space<hbm>>) dst(%dma_wait3A_316 : memref<128x256xf32, #tpu.memory_space<vmem>>)
    %add3A_324 = arith.constant 640 : i32
    %add3A_325 = arith.addi %mul3A_2, %add3A_324 : i32
    %dma_start3A_326 = arith.constant 2 : i32
    %dma_start3A_327 = arith.constant 2 : i32
    %dma_start3A_328 = arith.constant 0 : i32
    %dma_start3A_329 = arith.constant 0 : i32
    %dma_start3A_330 = tpu.memref_slice %arg6[%dma_start3A_326, %dma_start3A_328, %dma_start3A_329] : memref<3x128x256xf32, #tpu.memory_space<vmem>> -> memref<1x128x256xf32, #tpu.memory_space<vmem>>
    %dma_start3A_331 = tpu.memref_squeeze %dma_start3A_330 : memref<1x128x256xf32, #tpu.memory_space<vmem>> -> memref<128x256xf32, #tpu.memory_space<vmem>>
    %dma_start3A_332 = arith.constant 0 : i32
    %dma_start3A_333 = tpu.memref_slice %arg4[%add3A_325, %dma_start3A_332] : memref<32768x256xf32, #tpu.memory_space<hbm>> -> memref<128x256xf32, #tpu.memory_space<hbm>>
    %dma_start3A_334 = tpu.memref_slice %arg8[%dma_start3A_327] : memref<3x!tpu.dma_semaphore, #tpu.memory_space<semaphore_mem>> -> memref<1x!tpu.dma_semaphore, #tpu.memory_space<semaphore_mem>>
    %dma_start3A_335 = tpu.memref_squeeze %dma_start3A_334 : memref<1x!tpu.dma_semaphore, #tpu.memory_space<semaphore_mem>> -> memref<!tpu.dma_semaphore, #tpu.memory_space<semaphore_mem>>
    %dma_start3A_336 = arith.constant 0 : i32
    %dma_start3A_337 = tpu.memref_slice %arg4[%add3A_325, %dma_start3A_336] : memref<32768x256xf32, #tpu.memory_space<hbm>> -> memref<128x256xf32, #tpu.memory_space<hbm>>
    %dma_start3A_338 = arith.constant 0 : i32
    %dma_start3A_339 = arith.constant 0 : i32
    %dma_start3A_340 = tpu.memref_slice %arg6[%dma_start3A_326, %dma_start3A_338, %dma_start3A_339] : memref<3x128x256xf32, #tpu.memory_space<vmem>> -> memref<1x128x256xf32, #tpu.memory_space<vmem>>
    %dma_start3A_341 = tpu.memref_squeeze %dma_start3A_340 : memref<1x128x256xf32, #tpu.memory_space<vmem>> -> memref<128x256xf32, #tpu.memory_space<vmem>>
    tpu.enqueue_dma source(%dma_start3A_341 : memref<128x256xf32, #tpu.memory_space<vmem>>) target(%dma_start3A_337 : memref<128x256xf32, #tpu.memory_space<hbm>>) target_semaphore(%dma_start3A_335 : memref<!tpu.dma_semaphore, #tpu.memory_space<semaphore_mem>>)
    %dma_wait3A_342 = arith.constant 1 : i32
    %dma_wait3A_343 = arith.constant 1 : i32
    %dma_wait3A_344 = arith.constant 0 : i32
    %dma_wait3A_345 = arith.constant 0 : i32
    %dma_wait3A_346 = tpu.memref_slice %arg6[%dma_wait3A_342, %dma_wait3A_344, %dma_wait3A_345] : memref<3x128x256xf32, #tpu.memory_space<vmem>> -> memref<1x128x256xf32, #tpu.memory_space<vmem>>
    %dma_wait3A_347 = tpu.memref_squeeze %dma_wait3A_346 : memref<1x128x256xf32, #tpu.memory_space<vmem>> -> memref<128x256xf32, #tpu.memory_space<vmem>>
    %dma_wait3A_348 = arith.constant 0 : i32
    %dma_wait3A_349 = tpu.memref_slice %arg4[%add3A_265, %dma_wait3A_348] : memref<32768x256xf32, #tpu.memory_space<hbm>> -> memref<128x256xf32, #tpu.memory_space<hbm>>
    %dma_wait3A_350 = tpu.memref_slice %arg8[%dma_wait3A_343] : memref<3x!tpu.dma_semaphore, #tpu.memory_space<semaphore_mem>> -> memref<1x!tpu.dma_semaphore, #tpu.memory_space<semaphore_mem>>
    %dma_wait3A_351 = tpu.memref_squeeze %dma_wait3A_350 : memref<1x!tpu.dma_semaphore, #tpu.memory_space<semaphore_mem>> -> memref<!tpu.dma_semaphore, #tpu.memory_space<semaphore_mem>>
    %dma_wait3A_352 = arith.constant 0 : i32
    %dma_wait3A_353 = tpu.memref_slice %arg4[%add3A_265, %dma_wait3A_352] : memref<32768x256xf32, #tpu.memory_space<hbm>> -> memref<128x256xf32, #tpu.memory_space<hbm>>
    %dma_wait3A_354 = arith.constant 0 : i32
    %dma_wait3A_355 = arith.constant 0 : i32
    %dma_wait3A_356 = tpu.memref_slice %arg6[%dma_wait3A_342, %dma_wait3A_354, %dma_wait3A_355] : memref<3x128x256xf32, #tpu.memory_space<vmem>> -> memref<1x128x256xf32, #tpu.memory_space<vmem>>
    %dma_wait3A_357 = tpu.memref_squeeze %dma_wait3A_356 : memref<1x128x256xf32, #tpu.memory_space<vmem>> -> memref<128x256xf32, #tpu.memory_space<vmem>>
    tpu.wait_dma2 semaphore(%dma_wait3A_351 : memref<!tpu.dma_semaphore, #tpu.memory_space<semaphore_mem>>) src(%dma_wait3A_357 : memref<128x256xf32, #tpu.memory_space<vmem>>) dst(%dma_wait3A_353 : memref<128x256xf32, #tpu.memory_space<hbm>>)
    %dma_start3A_358 = arith.constant 1 : i32
    %dma_start3A_359 = arith.constant 1 : i32
    %dma_start3A_360 = arith.constant 0 : i32
    %dma_start3A_361 = arith.constant 0 : i32
    %dma_start3A_362 = tpu.memref_slice %arg6[%dma_start3A_358, %dma_start3A_360, %dma_start3A_361] : memref<3x128x256xf32, #tpu.memory_space<vmem>> -> memref<1x128x256xf32, #tpu.memory_space<vmem>>
    %dma_start3A_363 = tpu.memref_squeeze %dma_start3A_362 : memref<1x128x256xf32, #tpu.memory_space<vmem>> -> memref<128x256xf32, #tpu.memory_space<vmem>>
    %dma_start3A_364 = arith.constant 896 : i32
    %dma_start3A_365 = tpu.memref_slice %arg5[%dma_start3A_364] : memref<1024xi32, #tpu.memory_space<vmem>> -> memref<128xi32, #tpu.memory_space<vmem>>
    %dma_start3A_366 = arith.constant 0 : i32
    %dma_start3A_367 = arith.constant 0 : i32
    %dma_start3A_368 = tpu.memref_slice %arg2[%dma_start3A_366, %dma_start3A_367] : memref<8192x256xf32, #tpu.memory_space<hbm>> -> memref<8192x256xf32, #tpu.memory_space<hbm>>
    %dma_start3A_369 = tpu.memref_slice %arg7[%dma_start3A_359] : memref<3x!tpu.dma_semaphore, #tpu.memory_space<semaphore_mem>> -> memref<1x!tpu.dma_semaphore, #tpu.memory_space<semaphore_mem>>
    %dma_start3A_370 = tpu.memref_squeeze %dma_start3A_369 : memref<1x!tpu.dma_semaphore, #tpu.memory_space<semaphore_mem>> -> memref<!tpu.dma_semaphore, #tpu.memory_space<semaphore_mem>>
    tpu.enqueue_indirect_dma source(%dma_start3A_368 : memref<8192x256xf32, #tpu.memory_space<hbm>>) target(%dma_start3A_363 : memref<128x256xf32, #tpu.memory_space<vmem>>) offsets(%dma_start3A_365 : memref<128xi32, #tpu.memory_space<vmem>>) semaphore(%dma_start3A_370 : memref<!tpu.dma_semaphore, #tpu.memory_space<semaphore_mem>>)
    %dma_wait3A_371 = arith.constant 0 : i32
    %dma_wait3A_372 = arith.constant 0 : i32
    %dma_wait3A_373 = arith.constant 0 : i32
    %dma_wait3A_374 = arith.constant 0 : i32
    %dma_wait3A_375 = tpu.memref_slice %arg6[%dma_wait3A_371, %dma_wait3A_373, %dma_wait3A_374] : memref<3x128x256xf32, #tpu.memory_space<vmem>> -> memref<1x128x256xf32, #tpu.memory_space<vmem>>
    %dma_wait3A_376 = tpu.memref_squeeze %dma_wait3A_375 : memref<1x128x256xf32, #tpu.memory_space<vmem>> -> memref<128x256xf32, #tpu.memory_space<vmem>>
    %dma_wait3A_377 = arith.constant 768 : i32
    %dma_wait3A_378 = tpu.memref_slice %arg5[%dma_wait3A_377] : memref<1024xi32, #tpu.memory_space<vmem>> -> memref<128xi32, #tpu.memory_space<vmem>>
    %dma_wait3A_379 = arith.constant 0 : i32
    %dma_wait3A_380 = arith.constant 0 : i32
    %dma_wait3A_381 = tpu.memref_slice %arg2[%dma_wait3A_379, %dma_wait3A_380] : memref<8192x256xf32, #tpu.memory_space<hbm>> -> memref<8192x256xf32, #tpu.memory_space<hbm>>
    %dma_wait3A_382 = tpu.memref_slice %arg7[%dma_wait3A_372] : memref<3x!tpu.dma_semaphore, #tpu.memory_space<semaphore_mem>> -> memref<1x!tpu.dma_semaphore, #tpu.memory_space<semaphore_mem>>
    %dma_wait3A_383 = tpu.memref_squeeze %dma_wait3A_382 : memref<1x!tpu.dma_semaphore, #tpu.memory_space<semaphore_mem>> -> memref<!tpu.dma_semaphore, #tpu.memory_space<semaphore_mem>>
    tpu.wait_indirect_dma semaphore(%dma_wait3A_383 : memref<!tpu.dma_semaphore, #tpu.memory_space<semaphore_mem>>) src(%dma_wait3A_381 : memref<8192x256xf32, #tpu.memory_space<hbm>>) dst(%dma_wait3A_376 : memref<128x256xf32, #tpu.memory_space<vmem>>)
    %add3A_384 = arith.constant 768 : i32
    %add3A_385 = arith.addi %mul3A_2, %add3A_384 : i32
    %dma_start3A_386 = arith.constant 0 : i32
    %dma_start3A_387 = arith.constant 0 : i32
    %dma_start3A_388 = arith.constant 0 : i32
    %dma_start3A_389 = arith.constant 0 : i32
    %dma_start3A_390 = tpu.memref_slice %arg6[%dma_start3A_386, %dma_start3A_388, %dma_start3A_389] : memref<3x128x256xf32, #tpu.memory_space<vmem>> -> memref<1x128x256xf32, #tpu.memory_space<vmem>>
    %dma_start3A_391 = tpu.memref_squeeze %dma_start3A_390 : memref<1x128x256xf32, #tpu.memory_space<vmem>> -> memref<128x256xf32, #tpu.memory_space<vmem>>
    %dma_start3A_392 = arith.constant 0 : i32
    %dma_start3A_393 = tpu.memref_slice %arg4[%add3A_385, %dma_start3A_392] : memref<32768x256xf32, #tpu.memory_space<hbm>> -> memref<128x256xf32, #tpu.memory_space<hbm>>
    %dma_start3A_394 = tpu.memref_slice %arg8[%dma_start3A_387] : memref<3x!tpu.dma_semaphore, #tpu.memory_space<semaphore_mem>> -> memref<1x!tpu.dma_semaphore, #tpu.memory_space<semaphore_mem>>
    %dma_start3A_395 = tpu.memref_squeeze %dma_start3A_394 : memref<1x!tpu.dma_semaphore, #tpu.memory_space<semaphore_mem>> -> memref<!tpu.dma_semaphore, #tpu.memory_space<semaphore_mem>>
    %dma_start3A_396 = arith.constant 0 : i32
    %dma_start3A_397 = tpu.memref_slice %arg4[%add3A_385, %dma_start3A_396] : memref<32768x256xf32, #tpu.memory_space<hbm>> -> memref<128x256xf32, #tpu.memory_space<hbm>>
    %dma_start3A_398 = arith.constant 0 : i32
    %dma_start3A_399 = arith.constant 0 : i32
    %dma_start3A_400 = tpu.memref_slice %arg6[%dma_start3A_386, %dma_start3A_398, %dma_start3A_399] : memref<3x128x256xf32, #tpu.memory_space<vmem>> -> memref<1x128x256xf32, #tpu.memory_space<vmem>>
    %dma_start3A_401 = tpu.memref_squeeze %dma_start3A_400 : memref<1x128x256xf32, #tpu.memory_space<vmem>> -> memref<128x256xf32, #tpu.memory_space<vmem>>
    tpu.enqueue_dma source(%dma_start3A_401 : memref<128x256xf32, #tpu.memory_space<vmem>>) target(%dma_start3A_397 : memref<128x256xf32, #tpu.memory_space<hbm>>) target_semaphore(%dma_start3A_395 : memref<!tpu.dma_semaphore, #tpu.memory_space<semaphore_mem>>)
    %dma_wait3A_402 = arith.constant 1 : i32
    %dma_wait3A_403 = arith.constant 1 : i32
    %dma_wait3A_404 = arith.constant 0 : i32
    %dma_wait3A_405 = arith.constant 0 : i32
    %dma_wait3A_406 = tpu.memref_slice %arg6[%dma_wait3A_402, %dma_wait3A_404, %dma_wait3A_405] : memref<3x128x256xf32, #tpu.memory_space<vmem>> -> memref<1x128x256xf32, #tpu.memory_space<vmem>>
    %dma_wait3A_407 = tpu.memref_squeeze %dma_wait3A_406 : memref<1x128x256xf32, #tpu.memory_space<vmem>> -> memref<128x256xf32, #tpu.memory_space<vmem>>
    %dma_wait3A_408 = arith.constant 896 : i32
    %dma_wait3A_409 = tpu.memref_slice %arg5[%dma_wait3A_408] : memref<1024xi32, #tpu.memory_space<vmem>> -> memref<128xi32, #tpu.memory_space<vmem>>
    %dma_wait3A_410 = arith.constant 0 : i32
    %dma_wait3A_411 = arith.constant 0 : i32
    %dma_wait3A_412 = tpu.memref_slice %arg2[%dma_wait3A_410, %dma_wait3A_411] : memref<8192x256xf32, #tpu.memory_space<hbm>> -> memref<8192x256xf32, #tpu.memory_space<hbm>>
    %dma_wait3A_413 = tpu.memref_slice %arg7[%dma_wait3A_403] : memref<3x!tpu.dma_semaphore, #tpu.memory_space<semaphore_mem>> -> memref<1x!tpu.dma_semaphore, #tpu.memory_space<semaphore_mem>>
    %dma_wait3A_414 = tpu.memref_squeeze %dma_wait3A_413 : memref<1x!tpu.dma_semaphore, #tpu.memory_space<semaphore_mem>> -> memref<!tpu.dma_semaphore, #tpu.memory_space<semaphore_mem>>
    tpu.wait_indirect_dma semaphore(%dma_wait3A_414 : memref<!tpu.dma_semaphore, #tpu.memory_space<semaphore_mem>>) src(%dma_wait3A_412 : memref<8192x256xf32, #tpu.memory_space<hbm>>) dst(%dma_wait3A_407 : memref<128x256xf32, #tpu.memory_space<vmem>>)
    %add3A_415 = arith.constant 896 : i32
    %add3A_416 = arith.addi %mul3A_2, %add3A_415 : i32
    %dma_start3A_417 = arith.constant 1 : i32
    %dma_start3A_418 = arith.constant 1 : i32
    %dma_start3A_419 = arith.constant 0 : i32
    %dma_start3A_420 = arith.constant 0 : i32
    %dma_start3A_421 = tpu.memref_slice %arg6[%dma_start3A_417, %dma_start3A_419, %dma_start3A_420] : memref<3x128x256xf32, #tpu.memory_space<vmem>> -> memref<1x128x256xf32, #tpu.memory_space<vmem>>
    %dma_start3A_422 = tpu.memref_squeeze %dma_start3A_421 : memref<1x128x256xf32, #tpu.memory_space<vmem>> -> memref<128x256xf32, #tpu.memory_space<vmem>>
    %dma_start3A_423 = arith.constant 0 : i32
    %dma_start3A_424 = tpu.memref_slice %arg4[%add3A_416, %dma_start3A_423] : memref<32768x256xf32, #tpu.memory_space<hbm>> -> memref<128x256xf32, #tpu.memory_space<hbm>>
    %dma_start3A_425 = tpu.memref_slice %arg8[%dma_start3A_418] : memref<3x!tpu.dma_semaphore, #tpu.memory_space<semaphore_mem>> -> memref<1x!tpu.dma_semaphore, #tpu.memory_space<semaphore_mem>>
    %dma_start3A_426 = tpu.memref_squeeze %dma_start3A_425 : memref<1x!tpu.dma_semaphore, #tpu.memory_space<semaphore_mem>> -> memref<!tpu.dma_semaphore, #tpu.memory_space<semaphore_mem>>
    %dma_start3A_427 = arith.constant 0 : i32
    %dma_start3A_428 = tpu.memref_slice %arg4[%add3A_416, %dma_start3A_427] : memref<32768x256xf32, #tpu.memory_space<hbm>> -> memref<128x256xf32, #tpu.memory_space<hbm>>
    %dma_start3A_429 = arith.constant 0 : i32
    %dma_start3A_430 = arith.constant 0 : i32
    %dma_start3A_431 = tpu.memref_slice %arg6[%dma_start3A_417, %dma_start3A_429, %dma_start3A_430] : memref<3x128x256xf32, #tpu.memory_space<vmem>> -> memref<1x128x256xf32, #tpu.memory_space<vmem>>
    %dma_start3A_432 = tpu.memref_squeeze %dma_start3A_431 : memref<1x128x256xf32, #tpu.memory_space<vmem>> -> memref<128x256xf32, #tpu.memory_space<vmem>>
    tpu.enqueue_dma source(%dma_start3A_432 : memref<128x256xf32, #tpu.memory_space<vmem>>) target(%dma_start3A_428 : memref<128x256xf32, #tpu.memory_space<hbm>>) target_semaphore(%dma_start3A_426 : memref<!tpu.dma_semaphore, #tpu.memory_space<semaphore_mem>>)
    %dma_wait3A_433 = arith.constant 0 : i32
    %dma_wait3A_434 = arith.constant 0 : i32
    %dma_wait3A_435 = arith.constant 0 : i32
    %dma_wait3A_436 = arith.constant 0 : i32
    %dma_wait3A_437 = tpu.memref_slice %arg6[%dma_wait3A_433, %dma_wait3A_435, %dma_wait3A_436] : memref<3x128x256xf32, #tpu.memory_space<vmem>> -> memref<1x128x256xf32, #tpu.memory_space<vmem>>
    %dma_wait3A_438 = tpu.memref_squeeze %dma_wait3A_437 : memref<1x128x256xf32, #tpu.memory_space<vmem>> -> memref<128x256xf32, #tpu.memory_space<vmem>>
    %dma_wait3A_439 = arith.constant 0 : i32
    %dma_wait3A_440 = tpu.memref_slice %arg4[%add3A_385, %dma_wait3A_439] : memref<32768x256xf32, #tpu.memory_space<hbm>> -> memref<128x256xf32, #tpu.memory_space<hbm>>
    %dma_wait3A_441 = tpu.memref_slice %arg8[%dma_wait3A_434] : memref<3x!tpu.dma_semaphore, #tpu.memory_space<semaphore_mem>> -> memref<1x!tpu.dma_semaphore, #tpu.memory_space<semaphore_mem>>
    %dma_wait3A_442 = tpu.memref_squeeze %dma_wait3A_441 : memref<1x!tpu.dma_semaphore, #tpu.memory_space<semaphore_mem>> -> memref<!tpu.dma_semaphore, #tpu.memory_space<semaphore_mem>>
    %dma_wait3A_443 = arith.constant 0 : i32
    %dma_wait3A_444 = tpu.memref_slice %arg4[%add3A_385, %dma_wait3A_443] : memref<32768x256xf32, #tpu.memory_space<hbm>> -> memref<128x256xf32, #tpu.memory_space<hbm>>
    %dma_wait3A_445 = arith.constant 0 : i32
    %dma_wait3A_446 = arith.constant 0 : i32
    %dma_wait3A_447 = tpu.memref_slice %arg6[%dma_wait3A_433, %dma_wait3A_445, %dma_wait3A_446] : memref<3x128x256xf32, #tpu.memory_space<vmem>> -> memref<1x128x256xf32, #tpu.memory_space<vmem>>
    %dma_wait3A_448 = tpu.memref_squeeze %dma_wait3A_447 : memref<1x128x256xf32, #tpu.memory_space<vmem>> -> memref<128x256xf32, #tpu.memory_space<vmem>>
    tpu.wait_dma2 semaphore(%dma_wait3A_442 : memref<!tpu.dma_semaphore, #tpu.memory_space<semaphore_mem>>) src(%dma_wait3A_448 : memref<128x256xf32, #tpu.memory_space<vmem>>) dst(%dma_wait3A_444 : memref<128x256xf32, #tpu.memory_space<hbm>>)
    %dma_wait3A_449 = arith.constant 1 : i32
    %dma_wait3A_450 = arith.constant 1 : i32
    %dma_wait3A_451 = arith.constant 0 : i32
    %dma_wait3A_452 = arith.constant 0 : i32
    %dma_wait3A_453 = tpu.memref_slice %arg6[%dma_wait3A_449, %dma_wait3A_451, %dma_wait3A_452] : memref<3x128x256xf32, #tpu.memory_space<vmem>> -> memref<1x128x256xf32, #tpu.memory_space<vmem>>
    %dma_wait3A_454 = tpu.memref_squeeze %dma_wait3A_453 : memref<1x128x256xf32, #tpu.memory_space<vmem>> -> memref<128x256xf32, #tpu.memory_space<vmem>>
    %dma_wait3A_455 = arith.constant 0 : i32
    %dma_wait3A_456 = tpu.memref_slice %arg4[%add3A_416, %dma_wait3A_455] : memref<32768x256xf32, #tpu.memory_space<hbm>> -> memref<128x256xf32, #tpu.memory_space<hbm>>
    %dma_wait3A_457 = tpu.memref_slice %arg8[%dma_wait3A_450] : memref<3x!tpu.dma_semaphore, #tpu.memory_space<semaphore_mem>> -> memref<1x!tpu.dma_semaphore, #tpu.memory_space<semaphore_mem>>
    %dma_wait3A_458 = tpu.memref_squeeze %dma_wait3A_457 : memref<1x!tpu.dma_semaphore, #tpu.memory_space<semaphore_mem>> -> memref<!tpu.dma_semaphore, #tpu.memory_space<semaphore_mem>>
    %dma_wait3A_459 = arith.constant 0 : i32
    %dma_wait3A_460 = tpu.memref_slice %arg4[%add3A_416, %dma_wait3A_459] : memref<32768x256xf32, #tpu.memory_space<hbm>> -> memref<128x256xf32, #tpu.memory_space<hbm>>
    %dma_wait3A_461 = arith.constant 0 : i32
    %dma_wait3A_462 = arith.constant 0 : i32
    %dma_wait3A_463 = tpu.memref_slice %arg6[%dma_wait3A_449, %dma_wait3A_461, %dma_wait3A_462] : memref<3x128x256xf32, #tpu.memory_space<vmem>> -> memref<1x128x256xf32, #tpu.memory_space<vmem>>
    %dma_wait3A_464 = tpu.memref_squeeze %dma_wait3A_463 : memref<1x128x256xf32, #tpu.memory_space<vmem>> -> memref<128x256xf32, #tpu.memory_space<vmem>>
    tpu.wait_dma2 semaphore(%dma_wait3A_458 : memref<!tpu.dma_semaphore, #tpu.memory_space<semaphore_mem>>) src(%dma_wait3A_464 : memref<128x256xf32, #tpu.memory_space<vmem>>) dst(%dma_wait3A_460 : memref<128x256xf32, #tpu.memory_space<hbm>>)
    %dma_wait3A_465 = arith.constant 2 : i32
    %dma_wait3A_466 = arith.constant 2 : i32
    %dma_wait3A_467 = arith.constant 0 : i32
    %dma_wait3A_468 = arith.constant 0 : i32
    %dma_wait3A_469 = tpu.memref_slice %arg6[%dma_wait3A_465, %dma_wait3A_467, %dma_wait3A_468] : memref<3x128x256xf32, #tpu.memory_space<vmem>> -> memref<1x128x256xf32, #tpu.memory_space<vmem>>
    %dma_wait3A_470 = tpu.memref_squeeze %dma_wait3A_469 : memref<1x128x256xf32, #tpu.memory_space<vmem>> -> memref<128x256xf32, #tpu.memory_space<vmem>>
    %dma_wait3A_471 = arith.constant 0 : i32
    %dma_wait3A_472 = tpu.memref_slice %arg4[%add3A_325, %dma_wait3A_471] : memref<32768x256xf32, #tpu.memory_space<hbm>> -> memref<128x256xf32, #tpu.memory_space<hbm>>
    %dma_wait3A_473 = tpu.memref_slice %arg8[%dma_wait3A_466] : memref<3x!tpu.dma_semaphore, #tpu.memory_space<semaphore_mem>> -> memref<1x!tpu.dma_semaphore, #tpu.memory_space<semaphore_mem>>
    %dma_wait3A_474 = tpu.memref_squeeze %dma_wait3A_473 : memref<1x!tpu.dma_semaphore, #tpu.memory_space<semaphore_mem>> -> memref<!tpu.dma_semaphore, #tpu.memory_space<semaphore_mem>>
    %dma_wait3A_475 = arith.constant 0 : i32
    %dma_wait3A_476 = tpu.memref_slice %arg4[%add3A_325, %dma_wait3A_475] : memref<32768x256xf32, #tpu.memory_space<hbm>> -> memref<128x256xf32, #tpu.memory_space<hbm>>
    %dma_wait3A_477 = arith.constant 0 : i32
    %dma_wait3A_478 = arith.constant 0 : i32
    %dma_wait3A_479 = tpu.memref_slice %arg6[%dma_wait3A_465, %dma_wait3A_477, %dma_wait3A_478] : memref<3x128x256xf32, #tpu.memory_space<vmem>> -> memref<1x128x256xf32, #tpu.memory_space<vmem>>
    %dma_wait3A_480 = tpu.memref_squeeze %dma_wait3A_479 : memref<1x128x256xf32, #tpu.memory_space<vmem>> -> memref<128x256xf32, #tpu.memory_space<vmem>>
    tpu.wait_dma2 semaphore(%dma_wait3A_474 : memref<!tpu.dma_semaphore, #tpu.memory_space<semaphore_mem>>) src(%dma_wait3A_480 : memref<128x256xf32, #tpu.memory_space<vmem>>) dst(%dma_wait3A_476 : memref<128x256xf32, #tpu.memory_space<hbm>>)
    return
  }
}

module attributes {stable_mosaic.version = 14 : i64} {
  func.func @_dist_kernel(%arg0: i32, %arg1: memref<1024x256xf32, #tpu.memory_space<vmem>>, %arg2: memref<8192x256xf32, #tpu.memory_space<vmem>>, %arg3: memref<8192x256xbf16, #tpu.memory_space<vmem>>, %arg4: memref<1024x1xi32, #tpu.memory_space<vmem>>, %arg5: memref<1x1xf32, #tpu.memory_space<vmem>>, %arg6: memref<8x8192xf32, #tpu.memory_space<vmem>>) attributes {dimension_semantics = [#tpu.dimension_semantics<arbitrary>], iteration_bounds = array<i64: 32>, scalar_prefetch = 0 : i64, scratch_operands = 1 : i64, tpu.core_type = #tpu.core_type<tc>, window_params = [{transform_indices = @transform_0, window_bounds = array<i64: 1024, 256>}, {pipeline_mode = #tpu.pipeline_mode<synchronous>, transform_indices = @transform_1, window_bounds = array<i64: 8192, 256>}, {pipeline_mode = #tpu.pipeline_mode<synchronous>, transform_indices = @transform_2, window_bounds = array<i64: 8192, 256>}, {transform_indices = @transform_3, window_bounds = array<i64: 1024, 1>}, {pipeline_mode = #tpu.pipeline_mode<synchronous>, transform_indices = @transform_4, window_bounds = array<i64: 1, 1>}]} {
    %eq3A = arith.constant 0 : i32
    %eq3A_0 = arith.cmpi eq, %arg0, %eq3A : i32
    %convert_element_type3A = arith.extui %eq3A_0 : i1 to i32
    %cond3A = arith.constant 0 : i32
    %cond3A_1 = arith.cmpi ne, %convert_element_type3A, %cond3A : i32
    scf.if %cond3A_1 {
      %get3A_571 = arith.constant 0 : index
      %get3A_572 = arith.constant 0 : index
      %get3A_573 = vector.load %arg2[%get3A_571, %get3A_572] : memref<8192x256xf32, #tpu.memory_space<vmem>>, vector<8192x256xf32>
      %broadcast_in_dim3A_574 = arith.constant 1.000000e+00 : f32
      %broadcast_in_dim3A_575 = vector.broadcast %broadcast_in_dim3A_574 : f32 to vector<8x256xf32>
      %mul3A_576 = arith.mulf %get3A_573, %get3A_573 : vector<8192x256xf32>
      %dot_general3A_577 = arith.constant dense<0.000000e+00> : vector<8x8192xf32>
      %dot_general3A_578 = tpu.matmul %broadcast_in_dim3A_575, %mul3A_576, %dot_general3A_577 {dimension_numbers = #tpu.dot_dimension_numbers<[1], [1], [0], [0], [0, 0, 1, 0], [], []>, precision = #tpu.contract_precision<fp32>, transpose_lhs_hint = false} : vector<8x256xf32>, vector<8192x256xf32>, vector<8x8192xf32> -> vector<8x8192xf32>
      %swap3A_579 = arith.constant 0 : index
      %swap3A_580 = arith.constant 0 : index
      %swap3A_581 = vector.load %arg6[%swap3A_579, %swap3A_580] : memref<8x8192xf32, #tpu.memory_space<vmem>>, vector<8x8192xf32>
      tpu.vector_store %arg6[%swap3A_579, %swap3A_580], %dot_general3A_578 {strides = array<i32>} : memref<8x8192xf32, #tpu.memory_space<vmem>>, vector<8x8192xf32>,
    } else {
    }
    %get3A = arith.constant 0 : index
    %get3A_2 = arith.constant 0 : index
    %get3A_3 = vector.load %arg1[%get3A, %get3A_2] : memref<1024x256xf32, #tpu.memory_space<vmem>>, vector<1024x256xf32>
    %mul3A = arith.mulf %get3A_3, %get3A_3 : vector<1024x256xf32>
    %reduce_sum3A = arith.constant dense<0.000000e+00> : vector<1024xf32>
    %reduce_sum3A_4 = vector.multi_reduction <add>, %mul3A, %reduce_sum3A [1] : vector<1024x256xf32> to vector<1024xf32>
    %broadcast_in_dim3A = vector.shape_cast %reduce_sum3A_4 : vector<1024xf32> to vector<1024x1xf32>
    %add3A = arith.addf %get3A_3, %get3A_3 : vector<1024x256xf32>
    %convert_element_type3A_5 = arith.truncf %add3A : vector<1024x256xf32> to vector<1024x256xbf16>
    %get3A_6 = arith.constant 0 : index
    %get3A_7 = arith.constant 0 : index
    %get3A_8 = vector.load %arg3[%get3A_6, %get3A_7] : memref<8192x256xbf16, #tpu.memory_space<vmem>>, vector<1024x256xbf16>
    %get3A_9 = arith.constant 0 : index
    %get3A_10 = arith.constant 0 : index
    %get3A_11 = vector.load %arg6[%get3A_9, %get3A_10] : memref<8x8192xf32, #tpu.memory_space<vmem>>, vector<1x1024xf32>
    %dot_general3A = arith.constant dense<0.000000e+00> : vector<1024x1024xf32>
    %dot_general3A_12 = tpu.matmul %convert_element_type3A_5, %get3A_8, %dot_general3A {dimension_numbers = #tpu.dot_dimension_numbers<[1], [1], [0], [0], [0, 0, 1, 0], [], []>, transpose_lhs_hint = false} : vector<1024x256xbf16>, vector<1024x256xbf16>, vector<1024x1024xf32> -> vector<1024x1024xf32>
    %add3A_13 = vector.broadcast %broadcast_in_dim3A : vector<1024x1xf32> to vector<1024x1024xf32>
    %add3A_14 = vector.broadcast %get3A_11 : vector<1x1024xf32> to vector<1024x1024xf32>
    %add3A_15 = arith.addf %add3A_13, %add3A_14 : vector<1024x1024xf32>
    %sub3A = arith.subf %add3A_15, %dot_general3A_12 : vector<1024x1024xf32>
    %slice3A = vector.extract_strided_slice %sub3A {offsets = [0, 0], sizes = [1024, 128], strides = [1, 1]} : vector<1024x1024xf32> to vector<1024x128xf32>
    %slice3A_16 = vector.extract_strided_slice %sub3A {offsets = [0, 128], sizes = [1024, 128], strides = [1, 1]} : vector<1024x1024xf32> to vector<1024x128xf32>
    %slice3A_17 = vector.extract_strided_slice %sub3A {offsets = [0, 256], sizes = [1024, 128], strides = [1, 1]} : vector<1024x1024xf32> to vector<1024x128xf32>
    %slice3A_18 = vector.extract_strided_slice %sub3A {offsets = [0, 384], sizes = [1024, 128], strides = [1, 1]} : vector<1024x1024xf32> to vector<1024x128xf32>
    %slice3A_19 = vector.extract_strided_slice %sub3A {offsets = [0, 512], sizes = [1024, 128], strides = [1, 1]} : vector<1024x1024xf32> to vector<1024x128xf32>
    %slice3A_20 = vector.extract_strided_slice %sub3A {offsets = [0, 640], sizes = [1024, 128], strides = [1, 1]} : vector<1024x1024xf32> to vector<1024x128xf32>
    %slice3A_21 = vector.extract_strided_slice %sub3A {offsets = [0, 768], sizes = [1024, 128], strides = [1, 1]} : vector<1024x1024xf32> to vector<1024x128xf32>
    %slice3A_22 = vector.extract_strided_slice %sub3A {offsets = [0, 896], sizes = [1024, 128], strides = [1, 1]} : vector<1024x1024xf32> to vector<1024x128xf32>
    %broadcast_in_dim3A_23 = arith.constant 0 : i32
    %broadcast_in_dim3A_24 = vector.broadcast %broadcast_in_dim3A_23 : i32 to vector<1024x128xi32>
    %bitcast_convert_type3A = tpu.bitcast %broadcast_in_dim3A_24 : vector<1024x128xi32> -> vector<1024x128xf32>
    %broadcast_in_dim3A_25 = arith.constant 128 : i32
    %broadcast_in_dim3A_26 = vector.broadcast %broadcast_in_dim3A_25 : i32 to vector<1024x128xi32>
    %bitcast_convert_type3A_27 = tpu.bitcast %broadcast_in_dim3A_26 : vector<1024x128xi32> -> vector<1024x128xf32>
    %broadcast_in_dim3A_28 = arith.constant 256 : i32
    %broadcast_in_dim3A_29 = vector.broadcast %broadcast_in_dim3A_28 : i32 to vector<1024x128xi32>
    %bitcast_convert_type3A_30 = tpu.bitcast %broadcast_in_dim3A_29 : vector<1024x128xi32> -> vector<1024x128xf32>
    %broadcast_in_dim3A_31 = arith.constant 384 : i32
    %broadcast_in_dim3A_32 = vector.broadcast %broadcast_in_dim3A_31 : i32 to vector<1024x128xi32>
    %bitcast_convert_type3A_33 = tpu.bitcast %broadcast_in_dim3A_32 : vector<1024x128xi32> -> vector<1024x128xf32>
    %broadcast_in_dim3A_34 = arith.constant 512 : i32
    %broadcast_in_dim3A_35 = vector.broadcast %broadcast_in_dim3A_34 : i32 to vector<1024x128xi32>
    %bitcast_convert_type3A_36 = tpu.bitcast %broadcast_in_dim3A_35 : vector<1024x128xi32> -> vector<1024x128xf32>
    %broadcast_in_dim3A_37 = arith.constant 640 : i32
    %broadcast_in_dim3A_38 = vector.broadcast %broadcast_in_dim3A_37 : i32 to vector<1024x128xi32>
    %bitcast_convert_type3A_39 = tpu.bitcast %broadcast_in_dim3A_38 : vector<1024x128xi32> -> vector<1024x128xf32>
    %broadcast_in_dim3A_40 = arith.constant 768 : i32
    %broadcast_in_dim3A_41 = vector.broadcast %broadcast_in_dim3A_40 : i32 to vector<1024x128xi32>
    %bitcast_convert_type3A_42 = tpu.bitcast %broadcast_in_dim3A_41 : vector<1024x128xi32> -> vector<1024x128xf32>
    %broadcast_in_dim3A_43 = arith.constant 896 : i32
    %broadcast_in_dim3A_44 = vector.broadcast %broadcast_in_dim3A_43 : i32 to vector<1024x128xi32>
    %bitcast_convert_type3A_45 = tpu.bitcast %broadcast_in_dim3A_44 : vector<1024x128xi32> -> vector<1024x128xf32>
    %min3A = arith.minimumf %slice3A, %slice3A_16 : vector<1024x128xf32>
    %lt3A = arith.cmpf olt, %slice3A_16, %slice3A : vector<1024x128xf32>
    %select_n3A = arith.select %lt3A, %bitcast_convert_type3A_27, %bitcast_convert_type3A : vector<1024x128xi1>, vector<1024x128xf32>
    %min3A_46 = arith.minimumf %slice3A_17, %slice3A_18 : vector<1024x128xf32>
    %lt3A_47 = arith.cmpf olt, %slice3A_18, %slice3A_17 : vector<1024x128xf32>
    %select_n3A_48 = arith.select %lt3A_47, %bitcast_convert_type3A_33, %bitcast_convert_type3A_30 : vector<1024x128xi1>, vector<1024x128xf32>
    %min3A_49 = arith.minimumf %slice3A_19, %slice3A_20 : vector<1024x128xf32>
    %lt3A_50 = arith.cmpf olt, %slice3A_20, %slice3A_19 : vector<1024x128xf32>
    %select_n3A_51 = arith.select %lt3A_50, %bitcast_convert_type3A_39, %bitcast_convert_type3A_36 : vector<1024x128xi1>, vector<1024x128xf32>
    %min3A_52 = arith.minimumf %slice3A_21, %slice3A_22 : vector<1024x128xf32>
    %lt3A_53 = arith.cmpf olt, %slice3A_22, %slice3A_21 : vector<1024x128xf32>
    %select_n3A_54 = arith.select %lt3A_53, %bitcast_convert_type3A_45, %bitcast_convert_type3A_42 : vector<1024x128xi1>, vector<1024x128xf32>
    %min3A_55 = arith.minimumf %min3A, %min3A_46 : vector<1024x128xf32>
    %lt3A_56 = arith.cmpf olt, %min3A_46, %min3A : vector<1024x128xf32>
    %select_n3A_57 = arith.select %lt3A_56, %select_n3A_48, %select_n3A : vector<1024x128xi1>, vector<1024x128xf32>
    %min3A_58 = arith.minimumf %min3A_49, %min3A_52 : vector<1024x128xf32>
    %lt3A_59 = arith.cmpf olt, %min3A_52, %min3A_49 : vector<1024x128xf32>
    %select_n3A_60 = arith.select %lt3A_59, %select_n3A_54, %select_n3A_51 : vector<1024x128xi1>, vector<1024x128xf32>
    %min3A_61 = arith.minimumf %min3A_55, %min3A_58 : vector<1024x128xf32>
    %lt3A_62 = arith.cmpf olt, %min3A_58, %min3A_55 : vector<1024x128xf32>
    %select_n3A_63 = arith.select %lt3A_62, %select_n3A_60, %select_n3A_57 : vector<1024x128xi1>, vector<1024x128xf32>
    %get3A_64 = arith.constant 1024 : index
    %get3A_65 = arith.constant 0 : index
    %get3A_66 = vector.load %arg3[%get3A_64, %get3A_65] : memref<8192x256xbf16, #tpu.memory_space<vmem>>, vector<1024x256xbf16>
    %get3A_67 = arith.constant 0 : index
    %get3A_68 = arith.constant 1024 : index
    %get3A_69 = vector.load %arg6[%get3A_67, %get3A_68] : memref<8x8192xf32, #tpu.memory_space<vmem>>, vector<1x1024xf32>
    %dot_general3A_70 = arith.constant dense<0.000000e+00> : vector<1024x1024xf32>
    %dot_general3A_71 = tpu.matmul %convert_element_type3A_5, %get3A_66, %dot_general3A_70 {dimension_numbers = #tpu.dot_dimension_numbers<[1], [1], [0], [0], [0, 0, 1, 0], [], []>, transpose_lhs_hint = false} : vector<1024x256xbf16>, vector<1024x256xbf16>, vector<1024x1024xf32> -> vector<1024x1024xf32>
    %add3A_72 = vector.broadcast %broadcast_in_dim3A : vector<1024x1xf32> to vector<1024x1024xf32>
    %add3A_73 = vector.broadcast %get3A_69 : vector<1x1024xf32> to vector<1024x1024xf32>
    %add3A_74 = arith.addf %add3A_72, %add3A_73 : vector<1024x1024xf32>
    %sub3A_75 = arith.subf %add3A_74, %dot_general3A_71 : vector<1024x1024xf32>
    %slice3A_76 = vector.extract_strided_slice %sub3A_75 {offsets = [0, 0], sizes = [1024, 128], strides = [1, 1]} : vector<1024x1024xf32> to vector<1024x128xf32>
    %slice3A_77 = vector.extract_strided_slice %sub3A_75 {offsets = [0, 128], sizes = [1024, 128], strides = [1, 1]} : vector<1024x1024xf32> to vector<1024x128xf32>
    %slice3A_78 = vector.extract_strided_slice %sub3A_75 {offsets = [0, 256], sizes = [1024, 128], strides = [1, 1]} : vector<1024x1024xf32> to vector<1024x128xf32>
    %slice3A_79 = vector.extract_strided_slice %sub3A_75 {offsets = [0, 384], sizes = [1024, 128], strides = [1, 1]} : vector<1024x1024xf32> to vector<1024x128xf32>
    %slice3A_80 = vector.extract_strided_slice %sub3A_75 {offsets = [0, 512], sizes = [1024, 128], strides = [1, 1]} : vector<1024x1024xf32> to vector<1024x128xf32>
    %slice3A_81 = vector.extract_strided_slice %sub3A_75 {offsets = [0, 640], sizes = [1024, 128], strides = [1, 1]} : vector<1024x1024xf32> to vector<1024x128xf32>
    %slice3A_82 = vector.extract_strided_slice %sub3A_75 {offsets = [0, 768], sizes = [1024, 128], strides = [1, 1]} : vector<1024x1024xf32> to vector<1024x128xf32>
    %slice3A_83 = vector.extract_strided_slice %sub3A_75 {offsets = [0, 896], sizes = [1024, 128], strides = [1, 1]} : vector<1024x1024xf32> to vector<1024x128xf32>
    %broadcast_in_dim3A_84 = arith.constant 1024 : i32
    %broadcast_in_dim3A_85 = vector.broadcast %broadcast_in_dim3A_84 : i32 to vector<1024x128xi32>
    %bitcast_convert_type3A_86 = tpu.bitcast %broadcast_in_dim3A_85 : vector<1024x128xi32> -> vector<1024x128xf32>
    %broadcast_in_dim3A_87 = arith.constant 1152 : i32
    %broadcast_in_dim3A_88 = vector.broadcast %broadcast_in_dim3A_87 : i32 to vector<1024x128xi32>
    %bitcast_convert_type3A_89 = tpu.bitcast %broadcast_in_dim3A_88 : vector<1024x128xi32> -> vector<1024x128xf32>
    %broadcast_in_dim3A_90 = arith.constant 1280 : i32
    %broadcast_in_dim3A_91 = vector.broadcast %broadcast_in_dim3A_90 : i32 to vector<1024x128xi32>
    %bitcast_convert_type3A_92 = tpu.bitcast %broadcast_in_dim3A_91 : vector<1024x128xi32> -> vector<1024x128xf32>
    %broadcast_in_dim3A_93 = arith.constant 1408 : i32
    %broadcast_in_dim3A_94 = vector.broadcast %broadcast_in_dim3A_93 : i32 to vector<1024x128xi32>
    %bitcast_convert_type3A_95 = tpu.bitcast %broadcast_in_dim3A_94 : vector<1024x128xi32> -> vector<1024x128xf32>
    %broadcast_in_dim3A_96 = arith.constant 1536 : i32
    %broadcast_in_dim3A_97 = vector.broadcast %broadcast_in_dim3A_96 : i32 to vector<1024x128xi32>
    %bitcast_convert_type3A_98 = tpu.bitcast %broadcast_in_dim3A_97 : vector<1024x128xi32> -> vector<1024x128xf32>
    %broadcast_in_dim3A_99 = arith.constant 1664 : i32
    %broadcast_in_dim3A_100 = vector.broadcast %broadcast_in_dim3A_99 : i32 to vector<1024x128xi32>
    %bitcast_convert_type3A_101 = tpu.bitcast %broadcast_in_dim3A_100 : vector<1024x128xi32> -> vector<1024x128xf32>
    %broadcast_in_dim3A_102 = arith.constant 1792 : i32
    %broadcast_in_dim3A_103 = vector.broadcast %broadcast_in_dim3A_102 : i32 to vector<1024x128xi32>
    %bitcast_convert_type3A_104 = tpu.bitcast %broadcast_in_dim3A_103 : vector<1024x128xi32> -> vector<1024x128xf32>
    %broadcast_in_dim3A_105 = arith.constant 1920 : i32
    %broadcast_in_dim3A_106 = vector.broadcast %broadcast_in_dim3A_105 : i32 to vector<1024x128xi32>
    %bitcast_convert_type3A_107 = tpu.bitcast %broadcast_in_dim3A_106 : vector<1024x128xi32> -> vector<1024x128xf32>
    %min3A_108 = arith.minimumf %slice3A_76, %slice3A_77 : vector<1024x128xf32>
    %lt3A_109 = arith.cmpf olt, %slice3A_77, %slice3A_76 : vector<1024x128xf32>
    %select_n3A_110 = arith.select %lt3A_109, %bitcast_convert_type3A_89, %bitcast_convert_type3A_86 : vector<1024x128xi1>, vector<1024x128xf32>
    %min3A_111 = arith.minimumf %slice3A_78, %slice3A_79 : vector<1024x128xf32>
    %lt3A_112 = arith.cmpf olt, %slice3A_79, %slice3A_78 : vector<1024x128xf32>
    %select_n3A_113 = arith.select %lt3A_112, %bitcast_convert_type3A_95, %bitcast_convert_type3A_92 : vector<1024x128xi1>, vector<1024x128xf32>
    %min3A_114 = arith.minimumf %slice3A_80, %slice3A_81 : vector<1024x128xf32>
    %lt3A_115 = arith.cmpf olt, %slice3A_81, %slice3A_80 : vector<1024x128xf32>
    %select_n3A_116 = arith.select %lt3A_115, %bitcast_convert_type3A_101, %bitcast_convert_type3A_98 : vector<1024x128xi1>, vector<1024x128xf32>
    %min3A_117 = arith.minimumf %slice3A_82, %slice3A_83 : vector<1024x128xf32>
    %lt3A_118 = arith.cmpf olt, %slice3A_83, %slice3A_82 : vector<1024x128xf32>
    %select_n3A_119 = arith.select %lt3A_118, %bitcast_convert_type3A_107, %bitcast_convert_type3A_104 : vector<1024x128xi1>, vector<1024x128xf32>
    %min3A_120 = arith.minimumf %min3A_108, %min3A_111 : vector<1024x128xf32>
    %lt3A_121 = arith.cmpf olt, %min3A_111, %min3A_108 : vector<1024x128xf32>
    %select_n3A_122 = arith.select %lt3A_121, %select_n3A_113, %select_n3A_110 : vector<1024x128xi1>, vector<1024x128xf32>
    %min3A_123 = arith.minimumf %min3A_114, %min3A_117 : vector<1024x128xf32>
    %lt3A_124 = arith.cmpf olt, %min3A_117, %min3A_114 : vector<1024x128xf32>
    %select_n3A_125 = arith.select %lt3A_124, %select_n3A_119, %select_n3A_116 : vector<1024x128xi1>, vector<1024x128xf32>
    %min3A_126 = arith.minimumf %min3A_120, %min3A_123 : vector<1024x128xf32>
    %lt3A_127 = arith.cmpf olt, %min3A_123, %min3A_120 : vector<1024x128xf32>
    %select_n3A_128 = arith.select %lt3A_127, %select_n3A_125, %select_n3A_122 : vector<1024x128xi1>, vector<1024x128xf32>
    %min3A_129 = arith.minimumf %min3A_61, %min3A_126 : vector<1024x128xf32>
    %lt3A_130 = arith.cmpf olt, %min3A_126, %min3A_61 : vector<1024x128xf32>
    %select_n3A_131 = arith.select %lt3A_130, %select_n3A_128, %select_n3A_63 : vector<1024x128xi1>, vector<1024x128xf32>
    %get3A_132 = arith.constant 2048 : index
    %get3A_133 = arith.constant 0 : index
    %get3A_134 = vector.load %arg3[%get3A_132, %get3A_133] : memref<8192x256xbf16, #tpu.memory_space<vmem>>, vector<1024x256xbf16>
    %get3A_135 = arith.constant 0 : index
    %get3A_136 = arith.constant 2048 : index
    %get3A_137 = vector.load %arg6[%get3A_135, %get3A_136] : memref<8x8192xf32, #tpu.memory_space<vmem>>, vector<1x1024xf32>
    %dot_general3A_138 = arith.constant dense<0.000000e+00> : vector<1024x1024xf32>
    %dot_general3A_139 = tpu.matmul %convert_element_type3A_5, %get3A_134, %dot_general3A_138 {dimension_numbers = #tpu.dot_dimension_numbers<[1], [1], [0], [0], [0, 0, 1, 0], [], []>, transpose_lhs_hint = false} : vector<1024x256xbf16>, vector<1024x256xbf16>, vector<1024x1024xf32> -> vector<1024x1024xf32>
    %add3A_140 = vector.broadcast %broadcast_in_dim3A : vector<1024x1xf32> to vector<1024x1024xf32>
    %add3A_141 = vector.broadcast %get3A_137 : vector<1x1024xf32> to vector<1024x1024xf32>
    %add3A_142 = arith.addf %add3A_140, %add3A_141 : vector<1024x1024xf32>
    %sub3A_143 = arith.subf %add3A_142, %dot_general3A_139 : vector<1024x1024xf32>
    %slice3A_144 = vector.extract_strided_slice %sub3A_143 {offsets = [0, 0], sizes = [1024, 128], strides = [1, 1]} : vector<1024x1024xf32> to vector<1024x128xf32>
    %slice3A_145 = vector.extract_strided_slice %sub3A_143 {offsets = [0, 128], sizes = [1024, 128], strides = [1, 1]} : vector<1024x1024xf32> to vector<1024x128xf32>
    %slice3A_146 = vector.extract_strided_slice %sub3A_143 {offsets = [0, 256], sizes = [1024, 128], strides = [1, 1]} : vector<1024x1024xf32> to vector<1024x128xf32>
    %slice3A_147 = vector.extract_strided_slice %sub3A_143 {offsets = [0, 384], sizes = [1024, 128], strides = [1, 1]} : vector<1024x1024xf32> to vector<1024x128xf32>
    %slice3A_148 = vector.extract_strided_slice %sub3A_143 {offsets = [0, 512], sizes = [1024, 128], strides = [1, 1]} : vector<1024x1024xf32> to vector<1024x128xf32>
    %slice3A_149 = vector.extract_strided_slice %sub3A_143 {offsets = [0, 640], sizes = [1024, 128], strides = [1, 1]} : vector<1024x1024xf32> to vector<1024x128xf32>
    %slice3A_150 = vector.extract_strided_slice %sub3A_143 {offsets = [0, 768], sizes = [1024, 128], strides = [1, 1]} : vector<1024x1024xf32> to vector<1024x128xf32>
    %slice3A_151 = vector.extract_strided_slice %sub3A_143 {offsets = [0, 896], sizes = [1024, 128], strides = [1, 1]} : vector<1024x1024xf32> to vector<1024x128xf32>
    %broadcast_in_dim3A_152 = arith.constant 2048 : i32
    %broadcast_in_dim3A_153 = vector.broadcast %broadcast_in_dim3A_152 : i32 to vector<1024x128xi32>
    %bitcast_convert_type3A_154 = tpu.bitcast %broadcast_in_dim3A_153 : vector<1024x128xi32> -> vector<1024x128xf32>
    %broadcast_in_dim3A_155 = arith.constant 2176 : i32
    %broadcast_in_dim3A_156 = vector.broadcast %broadcast_in_dim3A_155 : i32 to vector<1024x128xi32>
    %bitcast_convert_type3A_157 = tpu.bitcast %broadcast_in_dim3A_156 : vector<1024x128xi32> -> vector<1024x128xf32>
    %broadcast_in_dim3A_158 = arith.constant 2304 : i32
    %broadcast_in_dim3A_159 = vector.broadcast %broadcast_in_dim3A_158 : i32 to vector<1024x128xi32>
    %bitcast_convert_type3A_160 = tpu.bitcast %broadcast_in_dim3A_159 : vector<1024x128xi32> -> vector<1024x128xf32>
    %broadcast_in_dim3A_161 = arith.constant 2432 : i32
    %broadcast_in_dim3A_162 = vector.broadcast %broadcast_in_dim3A_161 : i32 to vector<1024x128xi32>
    %bitcast_convert_type3A_163 = tpu.bitcast %broadcast_in_dim3A_162 : vector<1024x128xi32> -> vector<1024x128xf32>
    %broadcast_in_dim3A_164 = arith.constant 2560 : i32
    %broadcast_in_dim3A_165 = vector.broadcast %broadcast_in_dim3A_164 : i32 to vector<1024x128xi32>
    %bitcast_convert_type3A_166 = tpu.bitcast %broadcast_in_dim3A_165 : vector<1024x128xi32> -> vector<1024x128xf32>
    %broadcast_in_dim3A_167 = arith.constant 2688 : i32
    %broadcast_in_dim3A_168 = vector.broadcast %broadcast_in_dim3A_167 : i32 to vector<1024x128xi32>
    %bitcast_convert_type3A_169 = tpu.bitcast %broadcast_in_dim3A_168 : vector<1024x128xi32> -> vector<1024x128xf32>
    %broadcast_in_dim3A_170 = arith.constant 2816 : i32
    %broadcast_in_dim3A_171 = vector.broadcast %broadcast_in_dim3A_170 : i32 to vector<1024x128xi32>
    %bitcast_convert_type3A_172 = tpu.bitcast %broadcast_in_dim3A_171 : vector<1024x128xi32> -> vector<1024x128xf32>
    %broadcast_in_dim3A_173 = arith.constant 2944 : i32
    %broadcast_in_dim3A_174 = vector.broadcast %broadcast_in_dim3A_173 : i32 to vector<1024x128xi32>
    %bitcast_convert_type3A_175 = tpu.bitcast %broadcast_in_dim3A_174 : vector<1024x128xi32> -> vector<1024x128xf32>
    %min3A_176 = arith.minimumf %slice3A_144, %slice3A_145 : vector<1024x128xf32>
    %lt3A_177 = arith.cmpf olt, %slice3A_145, %slice3A_144 : vector<1024x128xf32>
    %select_n3A_178 = arith.select %lt3A_177, %bitcast_convert_type3A_157, %bitcast_convert_type3A_154 : vector<1024x128xi1>, vector<1024x128xf32>
    %min3A_179 = arith.minimumf %slice3A_146, %slice3A_147 : vector<1024x128xf32>
    %lt3A_180 = arith.cmpf olt, %slice3A_147, %slice3A_146 : vector<1024x128xf32>
    %select_n3A_181 = arith.select %lt3A_180, %bitcast_convert_type3A_163, %bitcast_convert_type3A_160 : vector<1024x128xi1>, vector<1024x128xf32>
    %min3A_182 = arith.minimumf %slice3A_148, %slice3A_149 : vector<1024x128xf32>
    %lt3A_183 = arith.cmpf olt, %slice3A_149, %slice3A_148 : vector<1024x128xf32>
    %select_n3A_184 = arith.select %lt3A_183, %bitcast_convert_type3A_169, %bitcast_convert_type3A_166 : vector<1024x128xi1>, vector<1024x128xf32>
    %min3A_185 = arith.minimumf %slice3A_150, %slice3A_151 : vector<1024x128xf32>
    %lt3A_186 = arith.cmpf olt, %slice3A_151, %slice3A_150 : vector<1024x128xf32>
    %select_n3A_187 = arith.select %lt3A_186, %bitcast_convert_type3A_175, %bitcast_convert_type3A_172 : vector<1024x128xi1>, vector<1024x128xf32>
    %min3A_188 = arith.minimumf %min3A_176, %min3A_179 : vector<1024x128xf32>
    %lt3A_189 = arith.cmpf olt, %min3A_179, %min3A_176 : vector<1024x128xf32>
    %select_n3A_190 = arith.select %lt3A_189, %select_n3A_181, %select_n3A_178 : vector<1024x128xi1>, vector<1024x128xf32>
    %min3A_191 = arith.minimumf %min3A_182, %min3A_185 : vector<1024x128xf32>
    %lt3A_192 = arith.cmpf olt, %min3A_185, %min3A_182 : vector<1024x128xf32>
    %select_n3A_193 = arith.select %lt3A_192, %select_n3A_187, %select_n3A_184 : vector<1024x128xi1>, vector<1024x128xf32>
    %min3A_194 = arith.minimumf %min3A_188, %min3A_191 : vector<1024x128xf32>
    %lt3A_195 = arith.cmpf olt, %min3A_191, %min3A_188 : vector<1024x128xf32>
    %select_n3A_196 = arith.select %lt3A_195, %select_n3A_193, %select_n3A_190 : vector<1024x128xi1>, vector<1024x128xf32>
    %min3A_197 = arith.minimumf %min3A_129, %min3A_194 : vector<1024x128xf32>
    %lt3A_198 = arith.cmpf olt, %min3A_194, %min3A_129 : vector<1024x128xf32>
    %select_n3A_199 = arith.select %lt3A_198, %select_n3A_196, %select_n3A_131 : vector<1024x128xi1>, vector<1024x128xf32>
    %get3A_200 = arith.constant 3072 : index
    %get3A_201 = arith.constant 0 : index
    %get3A_202 = vector.load %arg3[%get3A_200, %get3A_201] : memref<8192x256xbf16, #tpu.memory_space<vmem>>, vector<1024x256xbf16>
    %get3A_203 = arith.constant 0 : index
    %get3A_204 = arith.constant 3072 : index
    %get3A_205 = vector.load %arg6[%get3A_203, %get3A_204] : memref<8x8192xf32, #tpu.memory_space<vmem>>, vector<1x1024xf32>
    %dot_general3A_206 = arith.constant dense<0.000000e+00> : vector<1024x1024xf32>
    %dot_general3A_207 = tpu.matmul %convert_element_type3A_5, %get3A_202, %dot_general3A_206 {dimension_numbers = #tpu.dot_dimension_numbers<[1], [1], [0], [0], [0, 0, 1, 0], [], []>, transpose_lhs_hint = false} : vector<1024x256xbf16>, vector<1024x256xbf16>, vector<1024x1024xf32> -> vector<1024x1024xf32>
    %add3A_208 = vector.broadcast %broadcast_in_dim3A : vector<1024x1xf32> to vector<1024x1024xf32>
    %add3A_209 = vector.broadcast %get3A_205 : vector<1x1024xf32> to vector<1024x1024xf32>
    %add3A_210 = arith.addf %add3A_208, %add3A_209 : vector<1024x1024xf32>
    %sub3A_211 = arith.subf %add3A_210, %dot_general3A_207 : vector<1024x1024xf32>
    %slice3A_212 = vector.extract_strided_slice %sub3A_211 {offsets = [0, 0], sizes = [1024, 128], strides = [1, 1]} : vector<1024x1024xf32> to vector<1024x128xf32>
    %slice3A_213 = vector.extract_strided_slice %sub3A_211 {offsets = [0, 128], sizes = [1024, 128], strides = [1, 1]} : vector<1024x1024xf32> to vector<1024x128xf32>
    %slice3A_214 = vector.extract_strided_slice %sub3A_211 {offsets = [0, 256], sizes = [1024, 128], strides = [1, 1]} : vector<1024x1024xf32> to vector<1024x128xf32>
    %slice3A_215 = vector.extract_strided_slice %sub3A_211 {offsets = [0, 384], sizes = [1024, 128], strides = [1, 1]} : vector<1024x1024xf32> to vector<1024x128xf32>
    %slice3A_216 = vector.extract_strided_slice %sub3A_211 {offsets = [0, 512], sizes = [1024, 128], strides = [1, 1]} : vector<1024x1024xf32> to vector<1024x128xf32>
    %slice3A_217 = vector.extract_strided_slice %sub3A_211 {offsets = [0, 640], sizes = [1024, 128], strides = [1, 1]} : vector<1024x1024xf32> to vector<1024x128xf32>
    %slice3A_218 = vector.extract_strided_slice %sub3A_211 {offsets = [0, 768], sizes = [1024, 128], strides = [1, 1]} : vector<1024x1024xf32> to vector<1024x128xf32>
    %slice3A_219 = vector.extract_strided_slice %sub3A_211 {offsets = [0, 896], sizes = [1024, 128], strides = [1, 1]} : vector<1024x1024xf32> to vector<1024x128xf32>
    %broadcast_in_dim3A_220 = arith.constant 3072 : i32
    %broadcast_in_dim3A_221 = vector.broadcast %broadcast_in_dim3A_220 : i32 to vector<1024x128xi32>
    %bitcast_convert_type3A_222 = tpu.bitcast %broadcast_in_dim3A_221 : vector<1024x128xi32> -> vector<1024x128xf32>
    %broadcast_in_dim3A_223 = arith.constant 3200 : i32
    %broadcast_in_dim3A_224 = vector.broadcast %broadcast_in_dim3A_223 : i32 to vector<1024x128xi32>
    %bitcast_convert_type3A_225 = tpu.bitcast %broadcast_in_dim3A_224 : vector<1024x128xi32> -> vector<1024x128xf32>
    %broadcast_in_dim3A_226 = arith.constant 3328 : i32
    %broadcast_in_dim3A_227 = vector.broadcast %broadcast_in_dim3A_226 : i32 to vector<1024x128xi32>
    %bitcast_convert_type3A_228 = tpu.bitcast %broadcast_in_dim3A_227 : vector<1024x128xi32> -> vector<1024x128xf32>
    %broadcast_in_dim3A_229 = arith.constant 3456 : i32
    %broadcast_in_dim3A_230 = vector.broadcast %broadcast_in_dim3A_229 : i32 to vector<1024x128xi32>
    %bitcast_convert_type3A_231 = tpu.bitcast %broadcast_in_dim3A_230 : vector<1024x128xi32> -> vector<1024x128xf32>
    %broadcast_in_dim3A_232 = arith.constant 3584 : i32
    %broadcast_in_dim3A_233 = vector.broadcast %broadcast_in_dim3A_232 : i32 to vector<1024x128xi32>
    %bitcast_convert_type3A_234 = tpu.bitcast %broadcast_in_dim3A_233 : vector<1024x128xi32> -> vector<1024x128xf32>
    %broadcast_in_dim3A_235 = arith.constant 3712 : i32
    %broadcast_in_dim3A_236 = vector.broadcast %broadcast_in_dim3A_235 : i32 to vector<1024x128xi32>
    %bitcast_convert_type3A_237 = tpu.bitcast %broadcast_in_dim3A_236 : vector<1024x128xi32> -> vector<1024x128xf32>
    %broadcast_in_dim3A_238 = arith.constant 3840 : i32
    %broadcast_in_dim3A_239 = vector.broadcast %broadcast_in_dim3A_238 : i32 to vector<1024x128xi32>
    %bitcast_convert_type3A_240 = tpu.bitcast %broadcast_in_dim3A_239 : vector<1024x128xi32> -> vector<1024x128xf32>
    %broadcast_in_dim3A_241 = arith.constant 3968 : i32
    %broadcast_in_dim3A_242 = vector.broadcast %broadcast_in_dim3A_241 : i32 to vector<1024x128xi32>
    %bitcast_convert_type3A_243 = tpu.bitcast %broadcast_in_dim3A_242 : vector<1024x128xi32> -> vector<1024x128xf32>
    %min3A_244 = arith.minimumf %slice3A_212, %slice3A_213 : vector<1024x128xf32>
    %lt3A_245 = arith.cmpf olt, %slice3A_213, %slice3A_212 : vector<1024x128xf32>
    %select_n3A_246 = arith.select %lt3A_245, %bitcast_convert_type3A_225, %bitcast_convert_type3A_222 : vector<1024x128xi1>, vector<1024x128xf32>
    %min3A_247 = arith.minimumf %slice3A_214, %slice3A_215 : vector<1024x128xf32>
    %lt3A_248 = arith.cmpf olt, %slice3A_215, %slice3A_214 : vector<1024x128xf32>
    %select_n3A_249 = arith.select %lt3A_248, %bitcast_convert_type3A_231, %bitcast_convert_type3A_228 : vector<1024x128xi1>, vector<1024x128xf32>
    %min3A_250 = arith.minimumf %slice3A_216, %slice3A_217 : vector<1024x128xf32>
    %lt3A_251 = arith.cmpf olt, %slice3A_217, %slice3A_216 : vector<1024x128xf32>
    %select_n3A_252 = arith.select %lt3A_251, %bitcast_convert_type3A_237, %bitcast_convert_type3A_234 : vector<1024x128xi1>, vector<1024x128xf32>
    %min3A_253 = arith.minimumf %slice3A_218, %slice3A_219 : vector<1024x128xf32>
    %lt3A_254 = arith.cmpf olt, %slice3A_219, %slice3A_218 : vector<1024x128xf32>
    %select_n3A_255 = arith.select %lt3A_254, %bitcast_convert_type3A_243, %bitcast_convert_type3A_240 : vector<1024x128xi1>, vector<1024x128xf32>
    %min3A_256 = arith.minimumf %min3A_244, %min3A_247 : vector<1024x128xf32>
    %lt3A_257 = arith.cmpf olt, %min3A_247, %min3A_244 : vector<1024x128xf32>
    %select_n3A_258 = arith.select %lt3A_257, %select_n3A_249, %select_n3A_246 : vector<1024x128xi1>, vector<1024x128xf32>
    %min3A_259 = arith.minimumf %min3A_250, %min3A_253 : vector<1024x128xf32>
    %lt3A_260 = arith.cmpf olt, %min3A_253, %min3A_250 : vector<1024x128xf32>
    %select_n3A_261 = arith.select %lt3A_260, %select_n3A_255, %select_n3A_252 : vector<1024x128xi1>, vector<1024x128xf32>
    %min3A_262 = arith.minimumf %min3A_256, %min3A_259 : vector<1024x128xf32>
    %lt3A_263 = arith.cmpf olt, %min3A_259, %min3A_256 : vector<1024x128xf32>
    %select_n3A_264 = arith.select %lt3A_263, %select_n3A_261, %select_n3A_258 : vector<1024x128xi1>, vector<1024x128xf32>
    %min3A_265 = arith.minimumf %min3A_197, %min3A_262 : vector<1024x128xf32>
    %lt3A_266 = arith.cmpf olt, %min3A_262, %min3A_197 : vector<1024x128xf32>
    %select_n3A_267 = arith.select %lt3A_266, %select_n3A_264, %select_n3A_199 : vector<1024x128xi1>, vector<1024x128xf32>
    %get3A_268 = arith.constant 4096 : index
    %get3A_269 = arith.constant 0 : index
    %get3A_270 = vector.load %arg3[%get3A_268, %get3A_269] : memref<8192x256xbf16, #tpu.memory_space<vmem>>, vector<1024x256xbf16>
    %get3A_271 = arith.constant 0 : index
    %get3A_272 = arith.constant 4096 : index
    %get3A_273 = vector.load %arg6[%get3A_271, %get3A_272] : memref<8x8192xf32, #tpu.memory_space<vmem>>, vector<1x1024xf32>
    %dot_general3A_274 = arith.constant dense<0.000000e+00> : vector<1024x1024xf32>
    %dot_general3A_275 = tpu.matmul %convert_element_type3A_5, %get3A_270, %dot_general3A_274 {dimension_numbers = #tpu.dot_dimension_numbers<[1], [1], [0], [0], [0, 0, 1, 0], [], []>, transpose_lhs_hint = false} : vector<1024x256xbf16>, vector<1024x256xbf16>, vector<1024x1024xf32> -> vector<1024x1024xf32>
    %add3A_276 = vector.broadcast %broadcast_in_dim3A : vector<1024x1xf32> to vector<1024x1024xf32>
    %add3A_277 = vector.broadcast %get3A_273 : vector<1x1024xf32> to vector<1024x1024xf32>
    %add3A_278 = arith.addf %add3A_276, %add3A_277 : vector<1024x1024xf32>
    %sub3A_279 = arith.subf %add3A_278, %dot_general3A_275 : vector<1024x1024xf32>
    %slice3A_280 = vector.extract_strided_slice %sub3A_279 {offsets = [0, 0], sizes = [1024, 128], strides = [1, 1]} : vector<1024x1024xf32> to vector<1024x128xf32>
    %slice3A_281 = vector.extract_strided_slice %sub3A_279 {offsets = [0, 128], sizes = [1024, 128], strides = [1, 1]} : vector<1024x1024xf32> to vector<1024x128xf32>
    %slice3A_282 = vector.extract_strided_slice %sub3A_279 {offsets = [0, 256], sizes = [1024, 128], strides = [1, 1]} : vector<1024x1024xf32> to vector<1024x128xf32>
    %slice3A_283 = vector.extract_strided_slice %sub3A_279 {offsets = [0, 384], sizes = [1024, 128], strides = [1, 1]} : vector<1024x1024xf32> to vector<1024x128xf32>
    %slice3A_284 = vector.extract_strided_slice %sub3A_279 {offsets = [0, 512], sizes = [1024, 128], strides = [1, 1]} : vector<1024x1024xf32> to vector<1024x128xf32>
    %slice3A_285 = vector.extract_strided_slice %sub3A_279 {offsets = [0, 640], sizes = [1024, 128], strides = [1, 1]} : vector<1024x1024xf32> to vector<1024x128xf32>
    %slice3A_286 = vector.extract_strided_slice %sub3A_279 {offsets = [0, 768], sizes = [1024, 128], strides = [1, 1]} : vector<1024x1024xf32> to vector<1024x128xf32>
    %slice3A_287 = vector.extract_strided_slice %sub3A_279 {offsets = [0, 896], sizes = [1024, 128], strides = [1, 1]} : vector<1024x1024xf32> to vector<1024x128xf32>
    %broadcast_in_dim3A_288 = arith.constant 4096 : i32
    %broadcast_in_dim3A_289 = vector.broadcast %broadcast_in_dim3A_288 : i32 to vector<1024x128xi32>
    %bitcast_convert_type3A_290 = tpu.bitcast %broadcast_in_dim3A_289 : vector<1024x128xi32> -> vector<1024x128xf32>
    %broadcast_in_dim3A_291 = arith.constant 4224 : i32
    %broadcast_in_dim3A_292 = vector.broadcast %broadcast_in_dim3A_291 : i32 to vector<1024x128xi32>
    %bitcast_convert_type3A_293 = tpu.bitcast %broadcast_in_dim3A_292 : vector<1024x128xi32> -> vector<1024x128xf32>
    %broadcast_in_dim3A_294 = arith.constant 4352 : i32
    %broadcast_in_dim3A_295 = vector.broadcast %broadcast_in_dim3A_294 : i32 to vector<1024x128xi32>
    %bitcast_convert_type3A_296 = tpu.bitcast %broadcast_in_dim3A_295 : vector<1024x128xi32> -> vector<1024x128xf32>
    %broadcast_in_dim3A_297 = arith.constant 4480 : i32
    %broadcast_in_dim3A_298 = vector.broadcast %broadcast_in_dim3A_297 : i32 to vector<1024x128xi32>
    %bitcast_convert_type3A_299 = tpu.bitcast %broadcast_in_dim3A_298 : vector<1024x128xi32> -> vector<1024x128xf32>
    %broadcast_in_dim3A_300 = arith.constant 4608 : i32
    %broadcast_in_dim3A_301 = vector.broadcast %broadcast_in_dim3A_300 : i32 to vector<1024x128xi32>
    %bitcast_convert_type3A_302 = tpu.bitcast %broadcast_in_dim3A_301 : vector<1024x128xi32> -> vector<1024x128xf32>
    %broadcast_in_dim3A_303 = arith.constant 4736 : i32
    %broadcast_in_dim3A_304 = vector.broadcast %broadcast_in_dim3A_303 : i32 to vector<1024x128xi32>
    %bitcast_convert_type3A_305 = tpu.bitcast %broadcast_in_dim3A_304 : vector<1024x128xi32> -> vector<1024x128xf32>
    %broadcast_in_dim3A_306 = arith.constant 4864 : i32
    %broadcast_in_dim3A_307 = vector.broadcast %broadcast_in_dim3A_306 : i32 to vector<1024x128xi32>
    %bitcast_convert_type3A_308 = tpu.bitcast %broadcast_in_dim3A_307 : vector<1024x128xi32> -> vector<1024x128xf32>
    %broadcast_in_dim3A_309 = arith.constant 4992 : i32
    %broadcast_in_dim3A_310 = vector.broadcast %broadcast_in_dim3A_309 : i32 to vector<1024x128xi32>
    %bitcast_convert_type3A_311 = tpu.bitcast %broadcast_in_dim3A_310 : vector<1024x128xi32> -> vector<1024x128xf32>
    %min3A_312 = arith.minimumf %slice3A_280, %slice3A_281 : vector<1024x128xf32>
    %lt3A_313 = arith.cmpf olt, %slice3A_281, %slice3A_280 : vector<1024x128xf32>
    %select_n3A_314 = arith.select %lt3A_313, %bitcast_convert_type3A_293, %bitcast_convert_type3A_290 : vector<1024x128xi1>, vector<1024x128xf32>
    %min3A_315 = arith.minimumf %slice3A_282, %slice3A_283 : vector<1024x128xf32>
    %lt3A_316 = arith.cmpf olt, %slice3A_283, %slice3A_282 : vector<1024x128xf32>
    %select_n3A_317 = arith.select %lt3A_316, %bitcast_convert_type3A_299, %bitcast_convert_type3A_296 : vector<1024x128xi1>, vector<1024x128xf32>
    %min3A_318 = arith.minimumf %slice3A_284, %slice3A_285 : vector<1024x128xf32>
    %lt3A_319 = arith.cmpf olt, %slice3A_285, %slice3A_284 : vector<1024x128xf32>
    %select_n3A_320 = arith.select %lt3A_319, %bitcast_convert_type3A_305, %bitcast_convert_type3A_302 : vector<1024x128xi1>, vector<1024x128xf32>
    %min3A_321 = arith.minimumf %slice3A_286, %slice3A_287 : vector<1024x128xf32>
    %lt3A_322 = arith.cmpf olt, %slice3A_287, %slice3A_286 : vector<1024x128xf32>
    %select_n3A_323 = arith.select %lt3A_322, %bitcast_convert_type3A_311, %bitcast_convert_type3A_308 : vector<1024x128xi1>, vector<1024x128xf32>
    %min3A_324 = arith.minimumf %min3A_312, %min3A_315 : vector<1024x128xf32>
    %lt3A_325 = arith.cmpf olt, %min3A_315, %min3A_312 : vector<1024x128xf32>
    %select_n3A_326 = arith.select %lt3A_325, %select_n3A_317, %select_n3A_314 : vector<1024x128xi1>, vector<1024x128xf32>
    %min3A_327 = arith.minimumf %min3A_318, %min3A_321 : vector<1024x128xf32>
    %lt3A_328 = arith.cmpf olt, %min3A_321, %min3A_318 : vector<1024x128xf32>
    %select_n3A_329 = arith.select %lt3A_328, %select_n3A_323, %select_n3A_320 : vector<1024x128xi1>, vector<1024x128xf32>
    %min3A_330 = arith.minimumf %min3A_324, %min3A_327 : vector<1024x128xf32>
    %lt3A_331 = arith.cmpf olt, %min3A_327, %min3A_324 : vector<1024x128xf32>
    %select_n3A_332 = arith.select %lt3A_331, %select_n3A_329, %select_n3A_326 : vector<1024x128xi1>, vector<1024x128xf32>
    %min3A_333 = arith.minimumf %min3A_265, %min3A_330 : vector<1024x128xf32>
    %lt3A_334 = arith.cmpf olt, %min3A_330, %min3A_265 : vector<1024x128xf32>
    %select_n3A_335 = arith.select %lt3A_334, %select_n3A_332, %select_n3A_267 : vector<1024x128xi1>, vector<1024x128xf32>
    %get3A_336 = arith.constant 5120 : index
    %get3A_337 = arith.constant 0 : index
    %get3A_338 = vector.load %arg3[%get3A_336, %get3A_337] : memref<8192x256xbf16, #tpu.memory_space<vmem>>, vector<1024x256xbf16>
    %get3A_339 = arith.constant 0 : index
    %get3A_340 = arith.constant 5120 : index
    %get3A_341 = vector.load %arg6[%get3A_339, %get3A_340] : memref<8x8192xf32, #tpu.memory_space<vmem>>, vector<1x1024xf32>
    %dot_general3A_342 = arith.constant dense<0.000000e+00> : vector<1024x1024xf32>
    %dot_general3A_343 = tpu.matmul %convert_element_type3A_5, %get3A_338, %dot_general3A_342 {dimension_numbers = #tpu.dot_dimension_numbers<[1], [1], [0], [0], [0, 0, 1, 0], [], []>, transpose_lhs_hint = false} : vector<1024x256xbf16>, vector<1024x256xbf16>, vector<1024x1024xf32> -> vector<1024x1024xf32>
    %add3A_344 = vector.broadcast %broadcast_in_dim3A : vector<1024x1xf32> to vector<1024x1024xf32>
    %add3A_345 = vector.broadcast %get3A_341 : vector<1x1024xf32> to vector<1024x1024xf32>
    %add3A_346 = arith.addf %add3A_344, %add3A_345 : vector<1024x1024xf32>
    %sub3A_347 = arith.subf %add3A_346, %dot_general3A_343 : vector<1024x1024xf32>
    %slice3A_348 = vector.extract_strided_slice %sub3A_347 {offsets = [0, 0], sizes = [1024, 128], strides = [1, 1]} : vector<1024x1024xf32> to vector<1024x128xf32>
    %slice3A_349 = vector.extract_strided_slice %sub3A_347 {offsets = [0, 128], sizes = [1024, 128], strides = [1, 1]} : vector<1024x1024xf32> to vector<1024x128xf32>
    %slice3A_350 = vector.extract_strided_slice %sub3A_347 {offsets = [0, 256], sizes = [1024, 128], strides = [1, 1]} : vector<1024x1024xf32> to vector<1024x128xf32>
    %slice3A_351 = vector.extract_strided_slice %sub3A_347 {offsets = [0, 384], sizes = [1024, 128], strides = [1, 1]} : vector<1024x1024xf32> to vector<1024x128xf32>
    %slice3A_352 = vector.extract_strided_slice %sub3A_347 {offsets = [0, 512], sizes = [1024, 128], strides = [1, 1]} : vector<1024x1024xf32> to vector<1024x128xf32>
    %slice3A_353 = vector.extract_strided_slice %sub3A_347 {offsets = [0, 640], sizes = [1024, 128], strides = [1, 1]} : vector<1024x1024xf32> to vector<1024x128xf32>
    %slice3A_354 = vector.extract_strided_slice %sub3A_347 {offsets = [0, 768], sizes = [1024, 128], strides = [1, 1]} : vector<1024x1024xf32> to vector<1024x128xf32>
    %slice3A_355 = vector.extract_strided_slice %sub3A_347 {offsets = [0, 896], sizes = [1024, 128], strides = [1, 1]} : vector<1024x1024xf32> to vector<1024x128xf32>
    %broadcast_in_dim3A_356 = arith.constant 5120 : i32
    %broadcast_in_dim3A_357 = vector.broadcast %broadcast_in_dim3A_356 : i32 to vector<1024x128xi32>
    %bitcast_convert_type3A_358 = tpu.bitcast %broadcast_in_dim3A_357 : vector<1024x128xi32> -> vector<1024x128xf32>
    %broadcast_in_dim3A_359 = arith.constant 5248 : i32
    %broadcast_in_dim3A_360 = vector.broadcast %broadcast_in_dim3A_359 : i32 to vector<1024x128xi32>
    %bitcast_convert_type3A_361 = tpu.bitcast %broadcast_in_dim3A_360 : vector<1024x128xi32> -> vector<1024x128xf32>
    %broadcast_in_dim3A_362 = arith.constant 5376 : i32
    %broadcast_in_dim3A_363 = vector.broadcast %broadcast_in_dim3A_362 : i32 to vector<1024x128xi32>
    %bitcast_convert_type3A_364 = tpu.bitcast %broadcast_in_dim3A_363 : vector<1024x128xi32> -> vector<1024x128xf32>
    %broadcast_in_dim3A_365 = arith.constant 5504 : i32
    %broadcast_in_dim3A_366 = vector.broadcast %broadcast_in_dim3A_365 : i32 to vector<1024x128xi32>
    %bitcast_convert_type3A_367 = tpu.bitcast %broadcast_in_dim3A_366 : vector<1024x128xi32> -> vector<1024x128xf32>
    %broadcast_in_dim3A_368 = arith.constant 5632 : i32
    %broadcast_in_dim3A_369 = vector.broadcast %broadcast_in_dim3A_368 : i32 to vector<1024x128xi32>
    %bitcast_convert_type3A_370 = tpu.bitcast %broadcast_in_dim3A_369 : vector<1024x128xi32> -> vector<1024x128xf32>
    %broadcast_in_dim3A_371 = arith.constant 5760 : i32
    %broadcast_in_dim3A_372 = vector.broadcast %broadcast_in_dim3A_371 : i32 to vector<1024x128xi32>
    %bitcast_convert_type3A_373 = tpu.bitcast %broadcast_in_dim3A_372 : vector<1024x128xi32> -> vector<1024x128xf32>
    %broadcast_in_dim3A_374 = arith.constant 5888 : i32
    %broadcast_in_dim3A_375 = vector.broadcast %broadcast_in_dim3A_374 : i32 to vector<1024x128xi32>
    %bitcast_convert_type3A_376 = tpu.bitcast %broadcast_in_dim3A_375 : vector<1024x128xi32> -> vector<1024x128xf32>
    %broadcast_in_dim3A_377 = arith.constant 6016 : i32
    %broadcast_in_dim3A_378 = vector.broadcast %broadcast_in_dim3A_377 : i32 to vector<1024x128xi32>
    %bitcast_convert_type3A_379 = tpu.bitcast %broadcast_in_dim3A_378 : vector<1024x128xi32> -> vector<1024x128xf32>
    %min3A_380 = arith.minimumf %slice3A_348, %slice3A_349 : vector<1024x128xf32>
    %lt3A_381 = arith.cmpf olt, %slice3A_349, %slice3A_348 : vector<1024x128xf32>
    %select_n3A_382 = arith.select %lt3A_381, %bitcast_convert_type3A_361, %bitcast_convert_type3A_358 : vector<1024x128xi1>, vector<1024x128xf32>
    %min3A_383 = arith.minimumf %slice3A_350, %slice3A_351 : vector<1024x128xf32>
    %lt3A_384 = arith.cmpf olt, %slice3A_351, %slice3A_350 : vector<1024x128xf32>
    %select_n3A_385 = arith.select %lt3A_384, %bitcast_convert_type3A_367, %bitcast_convert_type3A_364 : vector<1024x128xi1>, vector<1024x128xf32>
    %min3A_386 = arith.minimumf %slice3A_352, %slice3A_353 : vector<1024x128xf32>
    %lt3A_387 = arith.cmpf olt, %slice3A_353, %slice3A_352 : vector<1024x128xf32>
    %select_n3A_388 = arith.select %lt3A_387, %bitcast_convert_type3A_373, %bitcast_convert_type3A_370 : vector<1024x128xi1>, vector<1024x128xf32>
    %min3A_389 = arith.minimumf %slice3A_354, %slice3A_355 : vector<1024x128xf32>
    %lt3A_390 = arith.cmpf olt, %slice3A_355, %slice3A_354 : vector<1024x128xf32>
    %select_n3A_391 = arith.select %lt3A_390, %bitcast_convert_type3A_379, %bitcast_convert_type3A_376 : vector<1024x128xi1>, vector<1024x128xf32>
    %min3A_392 = arith.minimumf %min3A_380, %min3A_383 : vector<1024x128xf32>
    %lt3A_393 = arith.cmpf olt, %min3A_383, %min3A_380 : vector<1024x128xf32>
    %select_n3A_394 = arith.select %lt3A_393, %select_n3A_385, %select_n3A_382 : vector<1024x128xi1>, vector<1024x128xf32>
    %min3A_395 = arith.minimumf %min3A_386, %min3A_389 : vector<1024x128xf32>
    %lt3A_396 = arith.cmpf olt, %min3A_389, %min3A_386 : vector<1024x128xf32>
    %select_n3A_397 = arith.select %lt3A_396, %select_n3A_391, %select_n3A_388 : vector<1024x128xi1>, vector<1024x128xf32>
    %min3A_398 = arith.minimumf %min3A_392, %min3A_395 : vector<1024x128xf32>
    %lt3A_399 = arith.cmpf olt, %min3A_395, %min3A_392 : vector<1024x128xf32>
    %select_n3A_400 = arith.select %lt3A_399, %select_n3A_397, %select_n3A_394 : vector<1024x128xi1>, vector<1024x128xf32>
    %min3A_401 = arith.minimumf %min3A_333, %min3A_398 : vector<1024x128xf32>
    %lt3A_402 = arith.cmpf olt, %min3A_398, %min3A_333 : vector<1024x128xf32>
    %select_n3A_403 = arith.select %lt3A_402, %select_n3A_400, %select_n3A_335 : vector<1024x128xi1>, vector<1024x128xf32>
    %get3A_404 = arith.constant 6144 : index
    %get3A_405 = arith.constant 0 : index
    %get3A_406 = vector.load %arg3[%get3A_404, %get3A_405] : memref<8192x256xbf16, #tpu.memory_space<vmem>>, vector<1024x256xbf16>
    %get3A_407 = arith.constant 0 : index
    %get3A_408 = arith.constant 6144 : index
    %get3A_409 = vector.load %arg6[%get3A_407, %get3A_408] : memref<8x8192xf32, #tpu.memory_space<vmem>>, vector<1x1024xf32>
    %dot_general3A_410 = arith.constant dense<0.000000e+00> : vector<1024x1024xf32>
    %dot_general3A_411 = tpu.matmul %convert_element_type3A_5, %get3A_406, %dot_general3A_410 {dimension_numbers = #tpu.dot_dimension_numbers<[1], [1], [0], [0], [0, 0, 1, 0], [], []>, transpose_lhs_hint = false} : vector<1024x256xbf16>, vector<1024x256xbf16>, vector<1024x1024xf32> -> vector<1024x1024xf32>
    %add3A_412 = vector.broadcast %broadcast_in_dim3A : vector<1024x1xf32> to vector<1024x1024xf32>
    %add3A_413 = vector.broadcast %get3A_409 : vector<1x1024xf32> to vector<1024x1024xf32>
    %add3A_414 = arith.addf %add3A_412, %add3A_413 : vector<1024x1024xf32>
    %sub3A_415 = arith.subf %add3A_414, %dot_general3A_411 : vector<1024x1024xf32>
    %slice3A_416 = vector.extract_strided_slice %sub3A_415 {offsets = [0, 0], sizes = [1024, 128], strides = [1, 1]} : vector<1024x1024xf32> to vector<1024x128xf32>
    %slice3A_417 = vector.extract_strided_slice %sub3A_415 {offsets = [0, 128], sizes = [1024, 128], strides = [1, 1]} : vector<1024x1024xf32> to vector<1024x128xf32>
    %slice3A_418 = vector.extract_strided_slice %sub3A_415 {offsets = [0, 256], sizes = [1024, 128], strides = [1, 1]} : vector<1024x1024xf32> to vector<1024x128xf32>
    %slice3A_419 = vector.extract_strided_slice %sub3A_415 {offsets = [0, 384], sizes = [1024, 128], strides = [1, 1]} : vector<1024x1024xf32> to vector<1024x128xf32>
    %slice3A_420 = vector.extract_strided_slice %sub3A_415 {offsets = [0, 512], sizes = [1024, 128], strides = [1, 1]} : vector<1024x1024xf32> to vector<1024x128xf32>
    %slice3A_421 = vector.extract_strided_slice %sub3A_415 {offsets = [0, 640], sizes = [1024, 128], strides = [1, 1]} : vector<1024x1024xf32> to vector<1024x128xf32>
    %slice3A_422 = vector.extract_strided_slice %sub3A_415 {offsets = [0, 768], sizes = [1024, 128], strides = [1, 1]} : vector<1024x1024xf32> to vector<1024x128xf32>
    %slice3A_423 = vector.extract_strided_slice %sub3A_415 {offsets = [0, 896], sizes = [1024, 128], strides = [1, 1]} : vector<1024x1024xf32> to vector<1024x128xf32>
    %broadcast_in_dim3A_424 = arith.constant 6144 : i32
    %broadcast_in_dim3A_425 = vector.broadcast %broadcast_in_dim3A_424 : i32 to vector<1024x128xi32>
    %bitcast_convert_type3A_426 = tpu.bitcast %broadcast_in_dim3A_425 : vector<1024x128xi32> -> vector<1024x128xf32>
    %broadcast_in_dim3A_427 = arith.constant 6272 : i32
    %broadcast_in_dim3A_428 = vector.broadcast %broadcast_in_dim3A_427 : i32 to vector<1024x128xi32>
    %bitcast_convert_type3A_429 = tpu.bitcast %broadcast_in_dim3A_428 : vector<1024x128xi32> -> vector<1024x128xf32>
    %broadcast_in_dim3A_430 = arith.constant 6400 : i32
    %broadcast_in_dim3A_431 = vector.broadcast %broadcast_in_dim3A_430 : i32 to vector<1024x128xi32>
    %bitcast_convert_type3A_432 = tpu.bitcast %broadcast_in_dim3A_431 : vector<1024x128xi32> -> vector<1024x128xf32>
    %broadcast_in_dim3A_433 = arith.constant 6528 : i32
    %broadcast_in_dim3A_434 = vector.broadcast %broadcast_in_dim3A_433 : i32 to vector<1024x128xi32>
    %bitcast_convert_type3A_435 = tpu.bitcast %broadcast_in_dim3A_434 : vector<1024x128xi32> -> vector<1024x128xf32>
    %broadcast_in_dim3A_436 = arith.constant 6656 : i32
    %broadcast_in_dim3A_437 = vector.broadcast %broadcast_in_dim3A_436 : i32 to vector<1024x128xi32>
    %bitcast_convert_type3A_438 = tpu.bitcast %broadcast_in_dim3A_437 : vector<1024x128xi32> -> vector<1024x128xf32>
    %broadcast_in_dim3A_439 = arith.constant 6784 : i32
    %broadcast_in_dim3A_440 = vector.broadcast %broadcast_in_dim3A_439 : i32 to vector<1024x128xi32>
    %bitcast_convert_type3A_441 = tpu.bitcast %broadcast_in_dim3A_440 : vector<1024x128xi32> -> vector<1024x128xf32>
    %broadcast_in_dim3A_442 = arith.constant 6912 : i32
    %broadcast_in_dim3A_443 = vector.broadcast %broadcast_in_dim3A_442 : i32 to vector<1024x128xi32>
    %bitcast_convert_type3A_444 = tpu.bitcast %broadcast_in_dim3A_443 : vector<1024x128xi32> -> vector<1024x128xf32>
    %broadcast_in_dim3A_445 = arith.constant 7040 : i32
    %broadcast_in_dim3A_446 = vector.broadcast %broadcast_in_dim3A_445 : i32 to vector<1024x128xi32>
    %bitcast_convert_type3A_447 = tpu.bitcast %broadcast_in_dim3A_446 : vector<1024x128xi32> -> vector<1024x128xf32>
    %min3A_448 = arith.minimumf %slice3A_416, %slice3A_417 : vector<1024x128xf32>
    %lt3A_449 = arith.cmpf olt, %slice3A_417, %slice3A_416 : vector<1024x128xf32>
    %select_n3A_450 = arith.select %lt3A_449, %bitcast_convert_type3A_429, %bitcast_convert_type3A_426 : vector<1024x128xi1>, vector<1024x128xf32>
    %min3A_451 = arith.minimumf %slice3A_418, %slice3A_419 : vector<1024x128xf32>
    %lt3A_452 = arith.cmpf olt, %slice3A_419, %slice3A_418 : vector<1024x128xf32>
    %select_n3A_453 = arith.select %lt3A_452, %bitcast_convert_type3A_435, %bitcast_convert_type3A_432 : vector<1024x128xi1>, vector<1024x128xf32>
    %min3A_454 = arith.minimumf %slice3A_420, %slice3A_421 : vector<1024x128xf32>
    %lt3A_455 = arith.cmpf olt, %slice3A_421, %slice3A_420 : vector<1024x128xf32>
    %select_n3A_456 = arith.select %lt3A_455, %bitcast_convert_type3A_441, %bitcast_convert_type3A_438 : vector<1024x128xi1>, vector<1024x128xf32>
    %min3A_457 = arith.minimumf %slice3A_422, %slice3A_423 : vector<1024x128xf32>
    %lt3A_458 = arith.cmpf olt, %slice3A_423, %slice3A_422 : vector<1024x128xf32>
    %select_n3A_459 = arith.select %lt3A_458, %bitcast_convert_type3A_447, %bitcast_convert_type3A_444 : vector<1024x128xi1>, vector<1024x128xf32>
    %min3A_460 = arith.minimumf %min3A_448, %min3A_451 : vector<1024x128xf32>
    %lt3A_461 = arith.cmpf olt, %min3A_451, %min3A_448 : vector<1024x128xf32>
    %select_n3A_462 = arith.select %lt3A_461, %select_n3A_453, %select_n3A_450 : vector<1024x128xi1>, vector<1024x128xf32>
    %min3A_463 = arith.minimumf %min3A_454, %min3A_457 : vector<1024x128xf32>
    %lt3A_464 = arith.cmpf olt, %min3A_457, %min3A_454 : vector<1024x128xf32>
    %select_n3A_465 = arith.select %lt3A_464, %select_n3A_459, %select_n3A_456 : vector<1024x128xi1>, vector<1024x128xf32>
    %min3A_466 = arith.minimumf %min3A_460, %min3A_463 : vector<1024x128xf32>
    %lt3A_467 = arith.cmpf olt, %min3A_463, %min3A_460 : vector<1024x128xf32>
    %select_n3A_468 = arith.select %lt3A_467, %select_n3A_465, %select_n3A_462 : vector<1024x128xi1>, vector<1024x128xf32>
    %min3A_469 = arith.minimumf %min3A_401, %min3A_466 : vector<1024x128xf32>
    %lt3A_470 = arith.cmpf olt, %min3A_466, %min3A_401 : vector<1024x128xf32>
    %select_n3A_471 = arith.select %lt3A_470, %select_n3A_468, %select_n3A_403 : vector<1024x128xi1>, vector<1024x128xf32>
    %get3A_472 = arith.constant 7168 : index
    %get3A_473 = arith.constant 0 : index
    %get3A_474 = vector.load %arg3[%get3A_472, %get3A_473] : memref<8192x256xbf16, #tpu.memory_space<vmem>>, vector<1024x256xbf16>
    %get3A_475 = arith.constant 0 : index
    %get3A_476 = arith.constant 7168 : index
    %get3A_477 = vector.load %arg6[%get3A_475, %get3A_476] : memref<8x8192xf32, #tpu.memory_space<vmem>>, vector<1x1024xf32>
    %dot_general3A_478 = arith.constant dense<0.000000e+00> : vector<1024x1024xf32>
    %dot_general3A_479 = tpu.matmul %convert_element_type3A_5, %get3A_474, %dot_general3A_478 {dimension_numbers = #tpu.dot_dimension_numbers<[1], [1], [0], [0], [0, 0, 1, 0], [], []>, transpose_lhs_hint = false} : vector<1024x256xbf16>, vector<1024x256xbf16>, vector<1024x1024xf32> -> vector<1024x1024xf32>
    %add3A_480 = vector.broadcast %broadcast_in_dim3A : vector<1024x1xf32> to vector<1024x1024xf32>
    %add3A_481 = vector.broadcast %get3A_477 : vector<1x1024xf32> to vector<1024x1024xf32>
    %add3A_482 = arith.addf %add3A_480, %add3A_481 : vector<1024x1024xf32>
    %sub3A_483 = arith.subf %add3A_482, %dot_general3A_479 : vector<1024x1024xf32>
    %slice3A_484 = vector.extract_strided_slice %sub3A_483 {offsets = [0, 0], sizes = [1024, 128], strides = [1, 1]} : vector<1024x1024xf32> to vector<1024x128xf32>
    %slice3A_485 = vector.extract_strided_slice %sub3A_483 {offsets = [0, 128], sizes = [1024, 128], strides = [1, 1]} : vector<1024x1024xf32> to vector<1024x128xf32>
    %slice3A_486 = vector.extract_strided_slice %sub3A_483 {offsets = [0, 256], sizes = [1024, 128], strides = [1, 1]} : vector<1024x1024xf32> to vector<1024x128xf32>
    %slice3A_487 = vector.extract_strided_slice %sub3A_483 {offsets = [0, 384], sizes = [1024, 128], strides = [1, 1]} : vector<1024x1024xf32> to vector<1024x128xf32>
    %slice3A_488 = vector.extract_strided_slice %sub3A_483 {offsets = [0, 512], sizes = [1024, 128], strides = [1, 1]} : vector<1024x1024xf32> to vector<1024x128xf32>
    %slice3A_489 = vector.extract_strided_slice %sub3A_483 {offsets = [0, 640], sizes = [1024, 128], strides = [1, 1]} : vector<1024x1024xf32> to vector<1024x128xf32>
    %slice3A_490 = vector.extract_strided_slice %sub3A_483 {offsets = [0, 768], sizes = [1024, 128], strides = [1, 1]} : vector<1024x1024xf32> to vector<1024x128xf32>
    %slice3A_491 = vector.extract_strided_slice %sub3A_483 {offsets = [0, 896], sizes = [1024, 128], strides = [1, 1]} : vector<1024x1024xf32> to vector<1024x128xf32>
    %broadcast_in_dim3A_492 = arith.constant 7168 : i32
    %broadcast_in_dim3A_493 = vector.broadcast %broadcast_in_dim3A_492 : i32 to vector<1024x128xi32>
    %bitcast_convert_type3A_494 = tpu.bitcast %broadcast_in_dim3A_493 : vector<1024x128xi32> -> vector<1024x128xf32>
    %broadcast_in_dim3A_495 = arith.constant 7296 : i32
    %broadcast_in_dim3A_496 = vector.broadcast %broadcast_in_dim3A_495 : i32 to vector<1024x128xi32>
    %bitcast_convert_type3A_497 = tpu.bitcast %broadcast_in_dim3A_496 : vector<1024x128xi32> -> vector<1024x128xf32>
    %broadcast_in_dim3A_498 = arith.constant 7424 : i32
    %broadcast_in_dim3A_499 = vector.broadcast %broadcast_in_dim3A_498 : i32 to vector<1024x128xi32>
    %bitcast_convert_type3A_500 = tpu.bitcast %broadcast_in_dim3A_499 : vector<1024x128xi32> -> vector<1024x128xf32>
    %broadcast_in_dim3A_501 = arith.constant 7552 : i32
    %broadcast_in_dim3A_502 = vector.broadcast %broadcast_in_dim3A_501 : i32 to vector<1024x128xi32>
    %bitcast_convert_type3A_503 = tpu.bitcast %broadcast_in_dim3A_502 : vector<1024x128xi32> -> vector<1024x128xf32>
    %broadcast_in_dim3A_504 = arith.constant 7680 : i32
    %broadcast_in_dim3A_505 = vector.broadcast %broadcast_in_dim3A_504 : i32 to vector<1024x128xi32>
    %bitcast_convert_type3A_506 = tpu.bitcast %broadcast_in_dim3A_505 : vector<1024x128xi32> -> vector<1024x128xf32>
    %broadcast_in_dim3A_507 = arith.constant 7808 : i32
    %broadcast_in_dim3A_508 = vector.broadcast %broadcast_in_dim3A_507 : i32 to vector<1024x128xi32>
    %bitcast_convert_type3A_509 = tpu.bitcast %broadcast_in_dim3A_508 : vector<1024x128xi32> -> vector<1024x128xf32>
    %broadcast_in_dim3A_510 = arith.constant 7936 : i32
    %broadcast_in_dim3A_511 = vector.broadcast %broadcast_in_dim3A_510 : i32 to vector<1024x128xi32>
    %bitcast_convert_type3A_512 = tpu.bitcast %broadcast_in_dim3A_511 : vector<1024x128xi32> -> vector<1024x128xf32>
    %broadcast_in_dim3A_513 = arith.constant 8064 : i32
    %broadcast_in_dim3A_514 = vector.broadcast %broadcast_in_dim3A_513 : i32 to vector<1024x128xi32>
    %bitcast_convert_type3A_515 = tpu.bitcast %broadcast_in_dim3A_514 : vector<1024x128xi32> -> vector<1024x128xf32>
    %min3A_516 = arith.minimumf %slice3A_484, %slice3A_485 : vector<1024x128xf32>
    %lt3A_517 = arith.cmpf olt, %slice3A_485, %slice3A_484 : vector<1024x128xf32>
    %select_n3A_518 = arith.select %lt3A_517, %bitcast_convert_type3A_497, %bitcast_convert_type3A_494 : vector<1024x128xi1>, vector<1024x128xf32>
    %min3A_519 = arith.minimumf %slice3A_486, %slice3A_487 : vector<1024x128xf32>
    %lt3A_520 = arith.cmpf olt, %slice3A_487, %slice3A_486 : vector<1024x128xf32>
    %select_n3A_521 = arith.select %lt3A_520, %bitcast_convert_type3A_503, %bitcast_convert_type3A_500 : vector<1024x128xi1>, vector<1024x128xf32>
    %min3A_522 = arith.minimumf %slice3A_488, %slice3A_489 : vector<1024x128xf32>
    %lt3A_523 = arith.cmpf olt, %slice3A_489, %slice3A_488 : vector<1024x128xf32>
    %select_n3A_524 = arith.select %lt3A_523, %bitcast_convert_type3A_509, %bitcast_convert_type3A_506 : vector<1024x128xi1>, vector<1024x128xf32>
    %min3A_525 = arith.minimumf %slice3A_490, %slice3A_491 : vector<1024x128xf32>
    %lt3A_526 = arith.cmpf olt, %slice3A_491, %slice3A_490 : vector<1024x128xf32>
    %select_n3A_527 = arith.select %lt3A_526, %bitcast_convert_type3A_515, %bitcast_convert_type3A_512 : vector<1024x128xi1>, vector<1024x128xf32>
    %min3A_528 = arith.minimumf %min3A_516, %min3A_519 : vector<1024x128xf32>
    %lt3A_529 = arith.cmpf olt, %min3A_519, %min3A_516 : vector<1024x128xf32>
    %select_n3A_530 = arith.select %lt3A_529, %select_n3A_521, %select_n3A_518 : vector<1024x128xi1>, vector<1024x128xf32>
    %min3A_531 = arith.minimumf %min3A_522, %min3A_525 : vector<1024x128xf32>
    %lt3A_532 = arith.cmpf olt, %min3A_525, %min3A_522 : vector<1024x128xf32>
    %select_n3A_533 = arith.select %lt3A_532, %select_n3A_527, %select_n3A_524 : vector<1024x128xi1>, vector<1024x128xf32>
    %min3A_534 = arith.minimumf %min3A_528, %min3A_531 : vector<1024x128xf32>
    %lt3A_535 = arith.cmpf olt, %min3A_531, %min3A_528 : vector<1024x128xf32>
    %select_n3A_536 = arith.select %lt3A_535, %select_n3A_533, %select_n3A_530 : vector<1024x128xi1>, vector<1024x128xf32>
    %min3A_537 = arith.minimumf %min3A_469, %min3A_534 : vector<1024x128xf32>
    %lt3A_538 = arith.cmpf olt, %min3A_534, %min3A_469 : vector<1024x128xf32>
    %select_n3A_539 = arith.select %lt3A_538, %select_n3A_536, %select_n3A_471 : vector<1024x128xi1>, vector<1024x128xf32>
    %iota3A = tpu.iota {dimensions = array<i32: 1>} : vector<1024x128xi32>
    %bitcast_convert_type3A_540 = tpu.bitcast %select_n3A_539 : vector<1024x128xf32> -> vector<1024x128xi32>
    %add3A_541 = arith.addi %bitcast_convert_type3A_540, %iota3A : vector<1024x128xi32>
    %reduce_min3A = arith.constant dense<0x7F800000> : vector<1024xf32>
    %reduce_min3A_542 = vector.multi_reduction <minimumf>, %min3A_537, %reduce_min3A [1] : vector<1024x128xf32> to vector<1024xf32>
    %broadcast_in_dim3A_543 = vector.shape_cast %reduce_min3A_542 : vector<1024xf32> to vector<1024x1xf32>
    %eq3A_544 = vector.broadcast %broadcast_in_dim3A_543 : vector<1024x1xf32> to vector<1024x128xf32>
    %eq3A_545 = arith.cmpf oeq, %min3A_537, %eq3A_544 : vector<1024x128xf32>
    %jit3A = arith.constant 8192 : i32
    %broadcast_in_dim3A_546 = vector.broadcast %jit3A : i32 to vector<1024x128xi32>
    %select_n3A_547 = arith.select %eq3A_545, %add3A_541, %broadcast_in_dim3A_546 : vector<1024x128xi1>, vector<1024x128xi32>
    %reduce_min3A_548 = arith.constant dense<2147483647> : vector<1024xi32>
    %reduce_min3A_549 = vector.multi_reduction <minsi>, %select_n3A_547, %reduce_min3A_548 [1] : vector<1024x128xi32> to vector<1024xi32>
    %broadcast_in_dim3A_550 = vector.shape_cast %reduce_min3A_549 : vector<1024xi32> to vector<1024x1xi32>
    %swap3A = arith.constant 0 : index
    %swap3A_551 = arith.constant 0 : index
    %swap3A_552 = vector.load %arg4[%swap3A, %swap3A_551] : memref<1024x1xi32, #tpu.memory_space<vmem>>, vector<1024x1xi32>
    tpu.vector_store %arg4[%swap3A, %swap3A_551], %broadcast_in_dim3A_550 {strides = array<i32>} : memref<1024x1xi32, #tpu.memory_space<vmem>>, vector<1024x1xi32>,
    %reduce_sum3A_553 = vector.shape_cast %broadcast_in_dim3A_543 : vector<1024x1xf32> to vector<1x1024x1xf32>
    %reduce_sum3A_554 = arith.constant dense<0.000000e+00> : vector<1xf32>
    %reduce_sum3A_555 = vector.multi_reduction <add>, %reduce_sum3A_553, %reduce_sum3A_554 [1, 2] : vector<1x1024x1xf32> to vector<1xf32>
    %reduce_sum3A_556 = vector.shape_cast %reduce_sum3A_555 : vector<1xf32> to vector<1x1x1xf32>
    %reduce_sum3A_557 = vector.extract %reduce_sum3A_556[0, 0, 0] : f32 from vector<1x1x1xf32>
    %eq3A_558 = arith.constant 0 : i32
    %eq3A_559 = arith.cmpi eq, %arg0, %eq3A_558 : i32
    %broadcast_in_dim3A_560 = arith.constant 0.000000e+00 : f32
    %broadcast_in_dim3A_561 = vector.broadcast %broadcast_in_dim3A_560 : f32 to vector<1x1xf32>
    %get3A_562 = arith.constant 0 : index
    %get3A_563 = arith.constant 0 : index
    %get3A_564 = vector.load %arg5[%get3A_562, %get3A_563] : memref<1x1xf32, #tpu.memory_space<vmem>>, vector<1x1xf32>
    %select_n3A_565 = arith.select %eq3A_559, %broadcast_in_dim3A_561, %get3A_564 : vector<1x1xf32>
    %add3A_566 = vector.broadcast %reduce_sum3A_557 : f32 to vector<1x1xf32>
    %add3A_567 = arith.addf %select_n3A_565, %add3A_566 : vector<1x1xf32>
    %swap3A_568 = arith.constant 0 : index
    %swap3A_569 = arith.constant 0 : index
    %swap3A_570 = vector.load %arg5[%swap3A_568, %swap3A_569] : memref<1x1xf32, #tpu.memory_space<vmem>>, vector<1x1xf32>
    tpu.vector_store %arg5[%swap3A_568, %swap3A_569], %add3A_567 {strides = array<i32>} : memref<1x1xf32, #tpu.memory_space<vmem>>, vector<1x1xf32>,
    return
  }
  func.func @transform_0(%arg0: i32) -> (i32, i32) {
    %c0_i32 = arith.constant 0 : i32
    %c0_i32_0 = arith.constant 0 : i32
    return %arg0, %c0_i32 : i32, i32
  }
  func.func @transform_1(%arg0: i32) -> (i32, i32) {
    %c0_i32 = arith.constant 0 : i32
    %c0_i32_0 = arith.constant 0 : i32
    %c0_i32_1 = arith.constant 0 : i32
    return %c0_i32, %c0_i32_0 : i32, i32
  }
  func.func @transform_2(%arg0: i32) -> (i32, i32) {
    %c0_i32 = arith.constant 0 : i32
    %c0_i32_0 = arith.constant 0 : i32
    %c0_i32_1 = arith.constant 0 : i32
    return %c0_i32, %c0_i32_0 : i32, i32
  }
  func.func @transform_3(%arg0: i32) -> (i32, i32) {
    %c0_i32 = arith.constant 0 : i32
    %c0_i32_0 = arith.constant 0 : i32
    return %arg0, %c0_i32 : i32, i32
  }
  func.func @transform_4(%arg0: i32) -> (i32, i32) {
    %c0_i32 = arith.constant 0 : i32
    %c0_i32_0 = arith.constant 0 : i32
    %c0_i32_1 = arith.constant 0 : i32
    return %c0_i32, %c0_i32_0 : i32, i32
  }
}

</mosaic_0001>

<sc_bundles>
// kernel: kernel.4.cloned.1.call-start
scs
__scs_entry_jumppad:
0x0: {  	(pc) =	sbr.rel $0x88, $3  }
0x1: {  	(tag) =	ssettag $0x0;
	lr =	simm.s32 $0x1  }
0x2: {  	[smem:$0x3F9F] =	sst lr;
	_ =	strace $0xD0000000  }
0x3: {  	_ = 	snop  }
0x4: {  	_ = 	snop  }
0x5: {  	_ = 	snop  }
0x6: {  	_ = 	snop  }
0x7: {  	_ = 	snop  }
__scs_overlays_trampoline_lowered:
0x8: {  	[smem:$0x3FAE] =	sst s0  }
0x9: {  	[smem:$0x3FAF] =	sst s1  }
0xa: {  	[smem:$0x3FB0] =	sst s2  }
0xb: {  	[smem:$0x3FB1] =	sst s3  }
0xc: {  	[smem:$0x3FB2] =	sst s4  }
0xd: {  	[smem:$0x3FB3] =	sst s5  }
0xe: {  	[smem:$0x3FB4] =	sst s6  }
0xf: {  	[smem:$0x3FB5] =	sst s7  }
0x10: {  	[smem:$0x3FB6] =	sst s8  }
0x11: {  	[smem:$0x3FB7] =	sst s9;
	s0 =	simm.s32 @!p0 $0x0  }
0x12: {  	s1 =	sld [smem:$0x3F9D];
	s0 =	simm.s32 @p0 $0x1  }
0x13: {  	[smem:$0x3FB8] =	sst s0;
	s0 =	simm.s32 @!p1 $0x0  }
0x14: {  	s2 =	sld [smem:$0x3F9C];
	s0 =	simm.s32 @p1 $0x1  }
0x15: {  	[smem:$0x3FB9] =	sst s0;
	s0 =	simm.s32 @!p2 $0x0  }
0x16: {  	s3 =	sld [smem:$0x3FDB];
	s0 =	simm.s32 @p2 $0x1  }
0x17: {  	s4 =	simm.s32 $0x1BF5;
	[smem:$0x3FBB] =	sst s0  }
0x18: {  	s0 =	sld [smem:$0x3F9E];
	_ =	swait.ge [sflag:s4], $0x0  }
0x19: {  	s7 =	sld [smem:$0x3F9F]  }
0x1a: {  	s8 =	sadd.s32 $0xFFFFE003, lr  }
0x1b: {  	s9 =	sadd.s32 $0xFFFFFEF7, lr;
	s5 =	simm.s32 $0xFFFFFFFF;
	p2 =	slt.u32 s8, $0xFFFFF086  }
0x1c: {  	p1 =	slt.u32 s9, $0xF7A;
	s5 =	simm.s32 @!p2 $0x0  }
0x1d: {  	s5 =	simm.s32 @p1 $0x1;
	p0 =	seq.s32 s7, s2  }
0x1e: {  	s7 =	smul.u32 @!p0 $0xF7A, s2;
	p2 =	seq.s32 @!p0 s5, $0x0  }
0x1f: {  	s9 =	smul.u32 $0xF7A, s1;
	s8 =	simm.s32 @!p0 $0x1BF5;
	p2 =	por !p2, p0  }
0x20: {  	[sflag:s8] =	ssyncset.s32 @!p0 $0xFFFFF086;
	s6 =	sadd.s32 @!p0 s3, s7;
	s7 =	simm.s32 @!p0 $0x108  }
0x21: {  	s3 =	sadd.s32 s3, s9;
	s6 =	sadd.s32 @!p0 $0x88, s6;
	s7 =	simm.s32 @p2 $0x1082  }
0x22: {  	[simem:s7], [sflag:s8] =	dma.local @!p0 [hbm:s6], $0xF7A  }
0x23: {  	s9 =	sor.u32 $0xD0000000, s2;
	s6 =	simm.s32 $0x108;
	_ =	swait.ge @!p0 [sflag:s8], $0x0  }
0x24: {  	s3 =	sadd.s32 $0x88, s3;
	s6 =	simm.s32 @!p1 $0x1082;
	[sflag:s4] =	ssyncset.s32 $0xFFFFF086  }
0x25: {  	[simem:s6], [sflag:s4] =	dma.local [hbm:s3], $0xF7A  }
0x26: {  	[smem:$0x3F9F] =	sst s1;
	(tag) =	ssettag s2;
	_ =	strace s9  }
0x27: {  	s1 =	sld [smem:$0x3FAF]  }
0x28: {  	s2 =	sld [smem:$0x3FB0]  }
0x29: {  	s4 =	sld [smem:$0x3FB2]  }
0x2a: {  	p0 =	seq.s32 s5, $0x0;
	s5 =	sld [smem:$0x3FB3]  }
0x2b: {  	s6 =	sld [smem:$0x3FB4]  }
0x2c: {  	s7 =	sld [smem:$0x3FB5]  }
0x2d: {  	s3 =	simm.s32 $0x108;
	s8 =	sld [smem:$0x3FB6]  }
0x2e: {  	s3 =	simm.s32 @!p0 $0x1082;
	s9 =	sld [smem:$0x3FB7]  }
0x2f: {  	lr =	sadd.s32 s0, s3;
	s0 =	sld [smem:$0x3FAE]  }
0x30: {  	s3 =	sld [smem:$0x3FB1]  }
0x31: {  	[smem:$0x3FBA] =	sst s10  }
0x32: {  	s10 =	sld [smem:$0x3FB8];
	_ =	sdelay $0x3  }
0x33: {  	p0 =	seq.s32 s10, $0x1;
	s10 =	sld [smem:$0x3FBA];
	_ =	sdelay $0x3  }
0x34: {  	[smem:$0x3FBA] =	sst s10  }
0x35: {  	s10 =	sld [smem:$0x3FB9];
	_ =	sdelay $0x3  }
0x36: {  	p1 =	seq.s32 s10, $0x1;
	s10 =	sld [smem:$0x3FBA];
	_ =	sdelay $0x3  }
0x37: {  	[smem:$0x3FBA] =	sst s10  }
0x38: {  	s10 =	sld [smem:$0x3FBB]  }
0x39: {  	_ = 	snop;
	(pc) =	sbr.ind lr, $3  }
0x3a: {  	_ = 	snop  }
0x3b: {  	_ = 	snop  }
0x3c: {  	p2 =	seq.s32 s10, $0x1;
	s10 =	sld [smem:$0x3FBA]  }
0x3d: {  	_ =	shalt  }
0x3e: {  	_ =	shalt  }
0x3f: {  	_ =	shalt  }
0x40: {  	_ =	shalt  }
0x41: {  	_ =	shalt  }
0x42: {  	_ =	shalt  }
0x43: {  	_ =	shalt  }
0x44: {  	_ =	shalt  }
0x45: {  	_ =	shalt  }
0x46: {  	_ =	shalt  }
0x47: {  	_ =	shalt  }
0x48: {  	_ =	shalt  }
0x49: {  	_ =	shalt  }
0x4a: {  	_ =	shalt  }
0x4b: {  	_ =	shalt  }
0x4c: {  	_ =	shalt  }
0x4d: {  	_ =	shalt  }
0x4e: {  	_ =	shalt  }
0x4f: {  	_ =	shalt  }
0x50: {  	_ =	shalt  }
0x51: {  	_ =	shalt  }
0x52: {  	_ =	shalt  }
0x53: {  	_ =	shalt  }
0x54: {  	_ =	shalt  }
0x55: {  	_ =	shalt  }
0x56: {  	_ =	shalt  }
0x57: {  	_ =	shalt  }
0x58: {  	_ =	shalt  }
0x59: {  	_ =	shalt  }
0x5a: {  	_ =	shalt  }
0x5b: {  	_ =	shalt  }
0x5c: {  	_ =	shalt  }
0x5d: {  	_ =	shalt  }
0x5e: {  	_ =	shalt  }
0x5f: {  	_ =	shalt  }
0x60: {  	_ =	shalt  }
0x61: {  	_ =	shalt  }
0x62: {  	_ =	shalt  }
0x63: {  	_ =	shalt  }
0x64: {  	_ =	shalt  }
0x65: {  	_ =	shalt  }
0x66: {  	_ =	shalt  }
0x67: {  	_ =	shalt  }
0x68: {  	_ =	shalt  }
0x69: {  	_ =	shalt  }
0x6a: {  	_ =	shalt  }
0x6b: {  	_ =	shalt  }
0x6c: {  	_ =	shalt  }
0x6d: {  	_ =	shalt  }
0x6e: {  	_ =	shalt  }
0x6f: {  	_ =	shalt  }
0x70: {  	_ =	shalt  }
0x71: {  	_ =	shalt  }
0x72: {  	_ =	shalt  }
0x73: {  	_ =	shalt  }
0x74: {  	_ =	shalt  }
0x75: {  	_ =	shalt  }
0x76: {  	_ =	shalt  }
0x77: {  	_ =	shalt  }
0x78: {  	_ =	shalt  }
0x79: {  	_ =	shalt  }
0x7a: {  	_ =	shalt  }
0x7b: {  	_ =	shalt  }
0x7c: {  	_ =	shalt  }
0x7d: {  	_ =	shalt  }
0x7e: {  	_ =	shalt  }
0x7f: {  	_ =	shalt  }
0x80: {  	_ =	shalt  }
0x81: {  	_ =	shalt  }
0x82: {  	_ =	shalt  }
0x83: {  	_ =	shalt  }
0x84: {  	_ =	shalt  }
0x85: {  	_ =	shalt  }
0x86: {  	_ =	shalt  }
0x87: {  	_ =	shalt  }
.Lfunc_end0:
.L_simem_size_0:
called_computation_lowered:
.L_overlay_start_0:
0x88: {  	s2 =	sld [smem:$0x3FD9]  }
0x89: {  	s3 =	sld [smem:$0x3FFE];
	_ =	sdelay $0x1  }
0x8a: {  	s1 =	srdreg.scid  }
0x8b: {  	s0 =	sand.u32 $0x1, s1  }
0x8c: {  	s15 =	sshll.u32 s0, $0xA;
	s2 =	sadd.s32 s3, s2  }
0x8d: {  	s2 =	sadd.s32 s2, s15  }
0x8e: {  	[smem:$0x3FC6] =	sst s2  }
0x8f: {  	_ = 	snop  }
0x90: {  	s2 =	sld [smem:$0x3FD0];
	_ =	sdelay $0x2  }
0x91: {  	s4 =	simm.s32 $0xA;
	s5 =	simm.s32 $0x10;
	s16 =	sld [smem:$0x3FC8]  }
0x92: {  	[smem:s5], [sflag:s4] =	dma.local [hbm:s2], $0x1  }
0x93: {  	_ =	swait.eq [sflag:s4], $0x1  }
0x94: {  	[sflag:s4] =	ssyncset.done $0x0  }
0x95: {  	s17 =	sld [smem:$0x10];
	[sflag:s4] =	ssyncadd.s32 $0xFFFFFFFF  }
0x96: {  	s18 =	sld [smem:$0x12];
	(tm) =	ssettm $0x1  }
0x97: {  	s19 =	sld [smem:$0x3FFB];
	_ =	sdelay $0x3  }
0x98: {  	_ =	strace s19  }
0x99: {  	s5 =	sld [smem:$0x3FFC];
	_ =	sdelay $0x3  }
0x9a: {  	_ =	strace s5  }
0x9b: {  	s5 =	sld [smem:$0x3FFD];
	_ =	sdelay $0x3  }
0x9c: {  	_ =	strace s5  }
0x9d: {  	_ =	strace $0x8FFFFFFF  }
0x9e: {  	s20 =	sld [smem:$0x3FDB];
	_ =	sdelay $0x1  }
0x9f: {  	s6 =	simm.s32 $_scs_section_size  }
0xa0: {  	s7 =	simm.s32 $_size__tile_overlayer_lowered;
	s8 =	simm.s32 $_tile_overlayer_lowered  }
0xa1: {  	s23 =	simm.s32 $0x1BFF;
	s22 =	sshll.u32 s8, $0x1;
	s5 =	sadd.s32 s6, s20  }
0xa2: {  	s9 =	simm.s32 $0x0;
	s21 =	sshll.u32 s7, $0x1;
	s7 =	sadd.s32 s22, s5  }
0xa3: {  	[timem:s9], [sflag:s23] =	dma.local [hbm:s7], s21  }
0xa4: {  	_ =	swait.ge [sflag:s23], s21  }
0xa5: {  	s6 =	ssub.s32 $0x0, s21;
	[sflag:s23] =	ssyncset.done $0x0  }
0xa6: {  	[sflag:s23] =	ssyncadd.s32 s6;
	_ =	sdelay $0x1  }
0xa7: {  	s24 =	simm.s32 $0x1B8B  }
0xa8: {  	_ =	swait.ge [sflag:s24], $0x1  }
0xa9: {  	[sflag:s24] =	ssyncset.done $0x0  }
0xaa: {  	s25 =	simm.s32 $0x1B8E;
	[sflag:s24] =	ssyncadd.s32 $0xFFFFFFFF  }
0xab: {  	s26 =	simm.s32 $execute0_lowered;
	[smem:$0x3FD2] =	sst s25  }
0xac: {  	s6 =	sshll.u32 s26, $0x1;
	_ =	strace $0x80000046;
	[dreg:$0x1] =	wrdreg $0xFFFFFFFF  }
0xad: {  	s28 =	simm.s32 $_size_execute0_lowered;
	s5 =	sadd.s32 s5, s6;
	[dreg:$0x0] =	wrdreg $0x0  }
0xae: {  	s6 =	sshll.u32 s28, $0x1;
	[dreg:$0x2] =	wrdreg s5  }
0xaf: {  	[dreg:$0x3] =	wrdreg s6  }
0xb0: {  	[dreg:$0x4] =	wrdreg $0xC0  }
0xb1: {  	_ =	task [dreg:s9], $0x5FFFF  }
0xb2: {  	[dreg:$0x1] =	wrdreg $0xFFFFFFFF  }
0xb3: {  	[dreg:$0x0] =	wrdreg $0x60  }
0xb4: {  	[dreg:$0x2] =	wrdreg s16  }
0xb5: {  	[dreg:$0x3] =	wrdreg s18  }
0xb6: {  	[dreg:$0x4] =	wrdreg s17  }
0xb7: {  	[dreg:$0x5] =	wrdreg $0x9  }
0xb8: {  	_ =	task.clear_ibuf [dreg:s9], $0x6FFFF;
	_ =	strace $0x90000046  }
0xb9: {  	s29 =	simm.s32 $0x9;
	_ =	strace $0x80000048  }
0xba: {  	_ =	swait.ge [sflag:s29], $0x1  }
0xbb: {  	[sflag:s29] =	ssyncadd.s32 $0xFFFFFFFF  }
0xbc: {  	_ =	strace $0x90000048  }
0xbd: {  	_ =	sfence  }
0xbe: {  	s30 =	sld [smem:$0x0];
	_ =	sdelay $0x2  }
0xbf: {  	s31 =	sshll.u32 s1, $0xD;
	s1 =	sshrl.u32 s1, $0x2  }
0xc0: {  	s3 =	sand.u32 $0x4000, s31;
	s1 =	sadd.s32 s1, s30  }
0xc1: {  	s0 =	sor.u32 s3, s0;
	s1 =	sshll.u32 s1, $0x11  }
0xc2: {  	s0 =	sor.u32 s1, s0  }
0xc3: {  	s0 =	sadd.s32 $0x8F2B, s0  }
0xc4: {  	[sflag:s0] =	ssyncadd.remote.s32 $0x1  }
0xc5: {  	_ =	sfence.sel $0xFFFF  }
0xc6: {  	[dreg:$0x0] =	wrdreg $0xFFFFFFFF;
	(pc) =	sbr.abs _section_cstart, $3  }
0xc7: {  	[dreg:$0x1] =	wrdreg $0xFFFFFFFF  }
0xc8: {  	_ =	task.clear_ibuf [dreg:s9], $0x2FFFF;
	_ =	strace $0x9FFFFFFF  }
0xc9: {  	(tm) =	ssettm $0x7FFFFFFF  }
tec
execute0_lowered:
.L_overlay_start_1:
0x0: {  	(tag) =	ssettag $0x1  }
0x1: {  	s1 =	rddreg [dreg:$0x0];
	s0 =	srdreg.scid  }
0x2: {  	s2 =	rddreg [dreg:$0x1];
	s3 =	stileid.u32  }
0x3: {  	s4 =	rddreg [dreg:$0x2];
	s28 =	simm.s32 $0x400;
	s12 =	simm.s32 $0x1  }
0x4: {  	s14 =	simm.s32 $0x2;
	s15 =	simm.s32 $0x4;
	s16 =	simm.s32 $0x3  }
0x5: {  	s17 =	simm.s32 $0x5;
	s18 =	simm.s32 $0x6;
	s29 =	simm.s32 $0x4400  }
0x6: {  	s30 =	simm.s32 $0x4C00;
	s31 =	simm.s32 $0x5400;
	s0 =	sand.u32 $0x1, s0  }
0x7: {  	s7 =	simm.s32 $0x12400;
	s5 =	sshll.u32 s3, $0xB;
	s6 =	sshll.u32 s0, $0xA  }
0x8: {  	s8 =	simm.s32 $0x12C00;
	s9 =	simm.s32 $0x13400;
	s5 =	sor.u32 s6, s5  }
0x9: {  	s10 =	simm.s32 $0x13C00;
	s3 =	simm.s32 $0x0;
	s6 =	sshrl.u32 s5, $0x3  }
0xa: {  	[smem:$0x7FF] =	sst s3;
	s5 =	sshll.u32 s5, $0x5;
	s2 =	sadd.s32 s2, s6  }
0xb: {  	_ =	strace $0x80000047;
	s5 =	sadd.s32 s4, s5;
	[dreg:$0x4] =	wrdreg s2  }
0xc: {  	s11 =	simm.s32 $0x14400;
	s19 =	sadd.s32 $0x1000, s5;
	[dreg:$0xc] =	wrdreg s5  }
0xd: {  	s13 =	simm.s32 $0x14C00;
	s20 =	sadd.s32 $0x2000, s5;
	[dreg:$0x5] =	wrdreg s19  }
0xe: {  	s0 =	ssub.s32 $0x2, s0;
	s21 =	sadd.s32 $0x3000, s5;
	[dreg:$0x6] =	wrdreg s20  }
0xf: {  	s24 =	sshrl.u32 s0, $0x1;
	s22 =	sadd.s32 $0x4000, s5;
	[dreg:$0x7] =	wrdreg s21  }
0x10: {  	s0 =	ssub.s32 s0, s24;
	s23 =	sadd.s32 $0x5000, s5;
	[dreg:$0x8] =	wrdreg s22  }
0x11: {  	s24 =	simm.s32 $0x16C00;
	s25 =	sadd.s32 $0x6000, s5;
	[dreg:$0x9] =	wrdreg s23  }
0x12: {  	s4 =	simm.s32 $0x11400;
	s26 =	sadd.s32 $0x7000, s5;
	[dreg:$0xa] =	wrdreg s25  }
0x13: {  	v2 =	vlaneseq.u32;
	s6 =	simm.s32 $0x11C00;
	s5 =	smax.u32 s0, $0x1;
	[dreg:$0xb] =	wrdreg s26  }
0x14: {  	vm0 =	vmmov $0xffff;
	v1 =	vshrl.u32 v2, $0x3;
	s23 =	simm.s32 $0x8400;
	s20 =	simm.s32 $0x15400;
	s21 =	simm.s32 $0x15C00  }
0x15: {  	v0 =	vand.u32 $0x7, v2;
	v2 =	vor.u32 $0x8, v2;
	v1 =	vmul.u32 $0x8, v1;
	s22 =	simm.s32 $0x16400;
	s25 =	simm.s32 $0x17400;
	s26 =	simm.s32 $0x17C00  }
.LBB2_1:
0x16: {  	s19 =	rddreg [dreg:$0x4];
	s0 =	simm.s32 $0x7  }
0x17: {  	[tilespmem:s3], [sflag:$0x7] =	stream.linear.gather [hbm4b:s19+s3], $0x400, $0x38;
	[tilespmem:$0x18400] =	vst v63  }
0x18: {  	_ =	swait.ge [sflag:s0], $0x400  }
0x19: {  	[sflag:s0] =	ssyncset.done $0x0  }
0x1a: {  	[sflag:s0] =	ssyncadd.s32 $0xFFFFFC00  }
0x1b: {  	v3 =	vld [tilespmem:$0x0];
	_ =	sdelay $0x4  }
0x1c: {  	v4 =	vshll.u32 v3, $0x1  }
0x1d: {  	v3 =	vand.u32 $0x7, v3;
	v4 =	vand.u32 $0xFFFFFFF0, v4  }
0x1e: {  	v3 =	vor.u32 v3, v4  }
0x1f: {  	v4 =	vperm.xlane v3, v0;
	_ =	sdelay $0x1  }
0x20: {  	v3 =	vperm.xlane v3, v2;
	v4 =	vadd.s32 v1, v4;
	_ =	sdelay $0x1  }
0x21: {  	v3 =	vadd.s32 v1, v3;
	_ =	sdelay $0x2  }
0x22: {  	[tilespmem:s28], [sflag:$0x1] =	stream.indirect_vreg.gather [hbm4b:s1+s3], $0x80, v4, vm0, $0xb8;
	[tilespmem:$0x18400] =	vst v63  }
0x23: {  	s0 =	simm.s32 $0xC00  }
0x24: {  	[tilespmem:s0], [sflag:$0x1] =	stream.indirect_vreg.gather [hbm4b:s1+s3], $0x80, v3, vm0, $0xb8;
	[tilespmem:$0x18400] =	vst v63  }
0x25: {  	v3 =	vld [tilespmem:$0x10];
	_ =	sdelay $0x4  }
0x26: {  	v57 =	vshll.u32 v3, $0x1  }
0x27: {  	v3 =	vand.u32 $0x7, v3;
	v4 =	vand.u32 $0xFFFFFFF0, v57  }
0x28: {  	v3 =	vor.u32 v3, v4  }
0x29: {  	v4 =	vperm.xlane v3, v0;
	_ =	sdelay $0x1  }
0x2a: {  	v3 =	vperm.xlane v3, v2;
	v4 =	vadd.s32 v1, v4;
	_ =	sdelay $0x1  }
0x2b: {  	v3 =	vadd.s32 v1, v3;
	_ =	sdelay $0x1  }
0x2c: {  	s2 =	simm.s32 $0x1400  }
0x2d: {  	[tilespmem:s2], [sflag:$0x1] =	stream.indirect_vreg.gather [hbm4b:s1+s3], $0x80, v4, vm0, $0xb8;
	[tilespmem:$0x18400] =	vst v63  }
0x2e: {  	s19 =	simm.s32 $0x1C00  }
0x2f: {  	[tilespmem:s19], [sflag:$0x1] =	stream.indirect_vreg.gather [hbm4b:s1+s3], $0x80, v3, vm0, $0xb8;
	[tilespmem:$0x18400] =	vst v63  }
0x30: {  	v3 =	vld [tilespmem:$0x20];
	_ =	sdelay $0x4  }
0x31: {  	v58 =	vshll.u32 v3, $0x1  }
0x32: {  	v3 =	vand.u32 $0x7, v3;
	v4 =	vand.u32 $0xFFFFFFF0, v58  }
0x33: {  	v3 =	vor.u32 v3, v4  }
0x34: {  	v4 =	vperm.xlane v3, v0;
	_ =	sdelay $0x1  }
0x35: {  	v3 =	vperm.xlane v3, v2;
	v4 =	vadd.s32 v1, v4;
	_ =	sdelay $0x1  }
0x36: {  	v3 =	vadd.s32 v1, v3;
	_ =	sdelay $0x1  }
0x37: {  	s2 =	simm.s32 $0x2400  }
0x38: {  	[tilespmem:s2], [sflag:$0x1] =	stream.indirect_vreg.gather [hbm4b:s1+s3], $0x80, v4, vm0, $0xb8;
	[tilespmem:$0x18400] =	vst v63  }
0x39: {  	s19 =	simm.s32 $0x2C00  }
0x3a: {  	[tilespmem:s19], [sflag:$0x1] =	stream.indirect_vreg.gather [hbm4b:s1+s3], $0x80, v3, vm0, $0xb8;
	[tilespmem:$0x18400] =	vst v63  }
0x3b: {  	v3 =	vld [tilespmem:$0x30];
	_ =	sdelay $0x4  }
0x3c: {  	v59 =	vshll.u32 v3, $0x1  }
0x3d: {  	v3 =	vand.u32 $0x7, v3;
	v4 =	vand.u32 $0xFFFFFFF0, v59  }
0x3e: {  	v3 =	vor.u32 v3, v4  }
0x3f: {  	v4 =	vperm.xlane v3, v0;
	_ =	sdelay $0x1  }
0x40: {  	v3 =	vperm.xlane v3, v2;
	v4 =	vadd.s32 v1, v4;
	_ =	sdelay $0x1  }
0x41: {  	v3 =	vadd.s32 v1, v3;
	_ =	sdelay $0x1  }
0x42: {  	s2 =	simm.s32 $0x3400  }
0x43: {  	[tilespmem:s2], [sflag:$0x1] =	stream.indirect_vreg.gather [hbm4b:s1+s3], $0x80, v4, vm0, $0xb8;
	[tilespmem:$0x18400] =	vst v63  }
0x44: {  	s19 =	simm.s32 $0x3C00  }
0x45: {  	[tilespmem:s19], [sflag:$0x1] =	stream.indirect_vreg.gather [hbm4b:s1+s3], $0x80, v3, vm0, $0xb8;
	[tilespmem:$0x18400] =	vst v63  }
0x46: {  	v3 =	vld [tilespmem:$0x40];
	_ =	sdelay $0x4  }
0x47: {  	v60 =	vshll.u32 v3, $0x1  }
0x48: {  	v3 =	vand.u32 $0x7, v3;
	v4 =	vand.u32 $0xFFFFFFF0, v60  }
0x49: {  	v3 =	vor.u32 v3, v4  }
0x4a: {  	v4 =	vperm.xlane v3, v0;
	_ =	sdelay $0x1  }
0x4b: {  	v3 =	vperm.xlane v3, v2;
	v4 =	vadd.s32 v1, v4;
	_ =	sdelay $0x1  }
0x4c: {  	v3 =	vadd.s32 v1, v3;
	_ =	sdelay $0x2  }
0x4d: {  	[tilespmem:s29], [sflag:$0x1] =	stream.indirect_vreg.gather [hbm4b:s1+s3], $0x80, v4, vm0, $0xb8;
	[tilespmem:$0x18400] =	vst v63  }
0x4e: {  	_ = 	snop  }
0x4f: {  	[tilespmem:s30], [sflag:$0x1] =	stream.indirect_vreg.gather [hbm4b:s1+s3], $0x80, v3, vm0, $0xb8;
	[tilespmem:$0x18400] =	vst v63  }
0x50: {  	v3 =	vld [tilespmem:$0x50];
	_ =	sdelay $0x4  }
0x51: {  	v61 =	vshll.u32 v3, $0x1  }
0x52: {  	v3 =	vand.u32 $0x7, v3;
	v4 =	vand.u32 $0xFFFFFFF0, v61  }
0x53: {  	v3 =	vor.u32 v3, v4  }
0x54: {  	v4 =	vperm.xlane v3, v0;
	_ =	sdelay $0x1  }
0x55: {  	v3 =	vperm.xlane v3, v2;
	v4 =	vadd.s32 v1, v4;
	_ =	sdelay $0x1  }
0x56: {  	v3 =	vadd.s32 v1, v3;
	_ =	sdelay $0x2  }
0x57: {  	[tilespmem:s31], [sflag:$0x1] =	stream.indirect_vreg.gather [hbm4b:s1+s3], $0x80, v4, vm0, $0xb8;
	[tilespmem:$0x18400] =	vst v63  }
0x58: {  	s2 =	simm.s32 $0x5C00  }
0x59: {  	[tilespmem:s2], [sflag:$0x1] =	stream.indirect_vreg.gather [hbm4b:s1+s3], $0x80, v3, vm0, $0xb8;
	[tilespmem:$0x18400] =	vst v63  }
0x5a: {  	v3 =	vld [tilespmem:$0x60];
	_ =	sdelay $0x4  }
0x5b: {  	v62 =	vshll.u32 v3, $0x1  }
0x5c: {  	v3 =	vand.u32 $0x7, v3;
	v4 =	vand.u32 $0xFFFFFFF0, v62  }
0x5d: {  	v3 =	vor.u32 v3, v4  }
0x5e: {  	v4 =	vperm.xlane v3, v0;
	_ =	sdelay $0x1  }
0x5f: {  	v3 =	vperm.xlane v3, v2;
	v4 =	vadd.s32 v1, v4;
	_ =	sdelay $0x1  }
0x60: {  	v3 =	vadd.s32 v1, v3;
	_ =	sdelay $0x1  }
0x61: {  	s19 =	simm.s32 $0x6400  }
0x62: {  	[tilespmem:s19], [sflag:$0x1] =	stream.indirect_vreg.gather [hbm4b:s1+s3], $0x80, v4, vm0, $0xb8;
	[tilespmem:$0x18400] =	vst v63  }
0x63: {  	s2 =	simm.s32 $0x6C00  }
0x64: {  	[tilespmem:s2], [sflag:$0x1] =	stream.indirect_vreg.gather [hbm4b:s1+s3], $0x80, v3, vm0, $0xb8;
	[tilespmem:$0x18400] =	vst v63  }
0x65: {  	v3 =	vld [tilespmem:$0x70];
	_ =	sdelay $0x4  }
0x66: {  	v63 =	vshll.u32 v3, $0x1  }
0x67: {  	v3 =	vand.u32 $0x7, v3;
	v4 =	vand.u32 $0xFFFFFFF0, v63  }
0x68: {  	v3 =	vor.u32 v3, v4  }
0x69: {  	v4 =	vperm.xlane v3, v0;
	_ =	sdelay $0x1  }
0x6a: {  	v3 =	vperm.xlane v3, v2;
	v4 =	vadd.s32 v1, v4;
	_ =	sdelay $0x1  }
0x6b: {  	v3 =	vadd.s32 v1, v3;
	_ =	sdelay $0x1  }
0x6c: {  	s19 =	simm.s32 $0x7400  }
0x6d: {  	[tilespmem:s19], [sflag:$0x1] =	stream.indirect_vreg.gather [hbm4b:s1+s3], $0x80, v4, vm0, $0xb8;
	[tilespmem:$0x18400] =	vst v63  }
0x6e: {  	s2 =	simm.s32 $0x7C00  }
0x6f: {  	[tilespmem:s2], [sflag:$0x1] =	stream.indirect_vreg.gather [hbm4b:s1+s3], $0x80, v3, vm0, $0xb8;
	[tilespmem:$0x18400] =	vst v63  }
0x70: {  	v3 =	vld [tilespmem:$0x80];
	_ =	sdelay $0x4  }
0x71: {  	v8 =	vshll.u32 v3, $0x1  }
0x72: {  	v3 =	vand.u32 $0x7, v3;
	v4 =	vand.u32 $0xFFFFFFF0, v8  }
0x73: {  	v3 =	vor.u32 v3, v4  }
0x74: {  	v4 =	vperm.xlane v3, v0;
	_ =	sdelay $0x1  }
0x75: {  	v3 =	vperm.xlane v3, v2;
	v4 =	vadd.s32 v1, v4;
	_ =	sdelay $0x1  }
0x76: {  	v3 =	vadd.s32 v1, v3;
	_ =	sdelay $0x2  }
0x77: {  	[tilespmem:s23], [sflag:$0x2] =	stream.indirect_vreg.gather [hbm4b:s1+s3], $0x80, v4, vm0, $0xb8;
	[tilespmem:$0x18400] =	vst v63  }
0x78: {  	s19 =	simm.s32 $0x8C00  }
0x79: {  	[tilespmem:s19], [sflag:$0x2] =	stream.indirect_vreg.gather [hbm4b:s1+s3], $0x80, v3, vm0, $0xb8;
	[tilespmem:$0x18400] =	vst v63  }
0x7a: {  	v3 =	vld [tilespmem:$0x90];
	_ =	sdelay $0x4  }
0x7b: {  	v9 =	vshll.u32 v3, $0x1  }
0x7c: {  	v3 =	vand.u32 $0x7, v3;
	v4 =	vand.u32 $0xFFFFFFF0, v9  }
0x7d: {  	v3 =	vor.u32 v3, v4  }
0x7e: {  	v4 =	vperm.xlane v3, v0;
	_ =	sdelay $0x1  }
0x7f: {  	v3 =	vperm.xlane v3, v2;
	v4 =	vadd.s32 v1, v4;
	_ =	sdelay $0x1  }
0x80: {  	v3 =	vadd.s32 v1, v3;
	_ =	sdelay $0x1  }
0x81: {  	s2 =	simm.s32 $0x9400  }
0x82: {  	[tilespmem:s2], [sflag:$0x2] =	stream.indirect_vreg.gather [hbm4b:s1+s3], $0x80, v4, vm0, $0xb8;
	[tilespmem:$0x18400] =	vst v63  }
0x83: {  	s19 =	simm.s32 $0x9C00  }
0x84: {  	[tilespmem:s19], [sflag:$0x2] =	stream.indirect_vreg.gather [hbm4b:s1+s3], $0x80, v3, vm0, $0xb8;
	[tilespmem:$0x18400] =	vst v63  }
0x85: {  	v3 =	vld [tilespmem:$0xA0];
	_ =	sdelay $0x4  }
0x86: {  	v10 =	vshll.u32 v3, $0x1  }
0x87: {  	v3 =	vand.u32 $0x7, v3;
	v4 =	vand.u32 $0xFFFFFFF0, v10  }
0x88: {  	v3 =	vor.u32 v3, v4  }
0x89: {  	v4 =	vperm.xlane v3, v0;
	_ =	sdelay $0x1  }
0x8a: {  	v3 =	vperm.xlane v3, v2;
	v4 =	vadd.s32 v1, v4;
	_ =	sdelay $0x1  }
0x8b: {  	v3 =	vadd.s32 v1, v3;
	_ =	sdelay $0x1  }
0x8c: {  	s2 =	simm.s32 $0xA400  }
0x8d: {  	[tilespmem:s2], [sflag:$0x2] =	stream.indirect_vreg.gather [hbm4b:s1+s3], $0x80, v4, vm0, $0xb8;
	[tilespmem:$0x18400] =	vst v63  }
0x8e: {  	s19 =	simm.s32 $0xAC00  }
0x8f: {  	[tilespmem:s19], [sflag:$0x2] =	stream.indirect_vreg.gather [hbm4b:s1+s3], $0x80, v3, vm0, $0xb8;
	[tilespmem:$0x18400] =	vst v63  }
0x90: {  	v3 =	vld [tilespmem:$0xB0];
	_ =	sdelay $0x4  }
0x91: {  	v11 =	vshll.u32 v3, $0x1  }
0x92: {  	v3 =	vand.u32 $0x7, v3;
	v4 =	vand.u32 $0xFFFFFFF0, v11  }
0x93: {  	v3 =	vor.u32 v3, v4  }
0x94: {  	v4 =	vperm.xlane v3, v0;
	_ =	sdelay $0x1  }
0x95: {  	v3 =	vperm.xlane v3, v2;
	v4 =	vadd.s32 v1, v4;
	_ =	sdelay $0x1  }
0x96: {  	v3 =	vadd.s32 v1, v3;
	_ =	sdelay $0x1  }
0x97: {  	s2 =	simm.s32 $0xB400  }
0x98: {  	[tilespmem:s2], [sflag:$0x2] =	stream.indirect_vreg.gather [hbm4b:s1+s3], $0x80, v4, vm0, $0xb8;
	[tilespmem:$0x18400] =	vst v63  }
0x99: {  	s19 =	simm.s32 $0xBC00  }
0x9a: {  	[tilespmem:s19], [sflag:$0x2] =	stream.indirect_vreg.gather [hbm4b:s1+s3], $0x80, v3, vm0, $0xb8;
	[tilespmem:$0x18400] =	vst v63  }
0x9b: {  	v3 =	vld [tilespmem:$0xC0];
	_ =	sdelay $0x4  }
0x9c: {  	v12 =	vshll.u32 v3, $0x1  }
0x9d: {  	v3 =	vand.u32 $0x7, v3;
	v4 =	vand.u32 $0xFFFFFFF0, v12  }
0x9e: {  	v3 =	vor.u32 v3, v4  }
0x9f: {  	v4 =	vperm.xlane v3, v0;
	_ =	sdelay $0x1  }
0xa0: {  	v3 =	vperm.xlane v3, v2;
	v4 =	vadd.s32 v1, v4;
	_ =	sdelay $0x1  }
0xa1: {  	v3 =	vadd.s32 v1, v3;
	_ =	sdelay $0x1  }
0xa2: {  	s2 =	simm.s32 $0xC400  }
0xa3: {  	[tilespmem:s2], [sflag:$0x2] =	stream.indirect_vreg.gather [hbm4b:s1+s3], $0x80, v4, vm0, $0xb8;
	[tilespmem:$0x18400] =	vst v63  }
0xa4: {  	s19 =	simm.s32 $0xCC00  }
0xa5: {  	[tilespmem:s19], [sflag:$0x2] =	stream.indirect_vreg.gather [hbm4b:s1+s3], $0x80, v3, vm0, $0xb8;
	[tilespmem:$0x18400] =	vst v63  }
0xa6: {  	v3 =	vld [tilespmem:$0xD0];
	_ =	sdelay $0x4  }
0xa7: {  	v13 =	vshll.u32 v3, $0x1  }
0xa8: {  	v3 =	vand.u32 $0x7, v3;
	v4 =	vand.u32 $0xFFFFFFF0, v13  }
0xa9: {  	v3 =	vor.u32 v3, v4  }
0xaa: {  	v4 =	vperm.xlane v3, v0;
	_ =	sdelay $0x1  }
0xab: {  	v3 =	vperm.xlane v3, v2;
	v4 =	vadd.s32 v1, v4;
	_ =	sdelay $0x1  }
0xac: {  	v3 =	vadd.s32 v1, v3;
	_ =	sdelay $0x1  }
0xad: {  	s2 =	simm.s32 $0xD400  }
0xae: {  	[tilespmem:s2], [sflag:$0x2] =	stream.indirect_vreg.gather [hbm4b:s1+s3], $0x80, v4, vm0, $0xb8;
	[tilespmem:$0x18400] =	vst v63  }
0xaf: {  	s19 =	simm.s32 $0xDC00  }
0xb0: {  	[tilespmem:s19], [sflag:$0x2] =	stream.indirect_vreg.gather [hbm4b:s1+s3], $0x80, v3, vm0, $0xb8;
	[tilespmem:$0x18400] =	vst v63  }
0xb1: {  	v3 =	vld [tilespmem:$0xE0];
	_ =	sdelay $0x4  }
0xb2: {  	v14 =	vshll.u32 v3, $0x1  }
0xb3: {  	v3 =	vand.u32 $0x7, v3;
	v4 =	vand.u32 $0xFFFFFFF0, v14  }
0xb4: {  	v3 =	vor.u32 v3, v4  }
0xb5: {  	v4 =	vperm.xlane v3, v0;
	_ =	sdelay $0x1  }
0xb6: {  	v3 =	vperm.xlane v3, v2;
	v4 =	vadd.s32 v1, v4;
	_ =	sdelay $0x1  }
0xb7: {  	v3 =	vadd.s32 v1, v3;
	_ =	sdelay $0x1  }
0xb8: {  	s2 =	simm.s32 $0xE400  }
0xb9: {  	[tilespmem:s2], [sflag:$0x2] =	stream.indirect_vreg.gather [hbm4b:s1+s3], $0x80, v4, vm0, $0xb8;
	[tilespmem:$0x18400] =	vst v63  }
0xba: {  	s19 =	simm.s32 $0xEC00  }
0xbb: {  	[tilespmem:s19], [sflag:$0x2] =	stream.indirect_vreg.gather [hbm4b:s1+s3], $0x80, v3, vm0, $0xb8;
	[tilespmem:$0x18400] =	vst v63  }
0xbc: {  	v3 =	vld [tilespmem:$0xF0];
	_ =	sdelay $0x4  }
0xbd: {  	v15 =	vshll.u32 v3, $0x1  }
0xbe: {  	v3 =	vand.u32 $0x7, v3;
	v4 =	vand.u32 $0xFFFFFFF0, v15  }
0xbf: {  	v3 =	vor.u32 v3, v4  }
0xc0: {  	v4 =	vperm.xlane v3, v0;
	_ =	sdelay $0x1  }
0xc1: {  	v3 =	vperm.xlane v3, v2;
	v4 =	vadd.s32 v1, v4;
	_ =	sdelay $0x1  }
0xc2: {  	v3 =	vadd.s32 v1, v3;
	_ =	sdelay $0x1  }
0xc3: {  	s2 =	simm.s32 $0xF400  }
0xc4: {  	[tilespmem:s2], [sflag:$0x2] =	stream.indirect_vreg.gather [hbm4b:s1+s3], $0x80, v4, vm0, $0xb8;
	[tilespmem:$0x18400] =	vst v63  }
0xc5: {  	s19 =	simm.s32 $0xFC00  }
0xc6: {  	[tilespmem:s19], [sflag:$0x2] =	stream.indirect_vreg.gather [hbm4b:s1+s3], $0x80, v3, vm0, $0xb8;
	[tilespmem:$0x18400] =	vst v63  }
0xc7: {  	_ =	swait.ge [sflag:s12], $0x8000  }
0xc8: {  	[sflag:s12] =	ssyncset.done $0x0  }
0xc9: {  	s0 =	rddreg [dreg:$0xc];
	[sflag:s12] =	ssyncadd.s32 $0xFFFF8000  }
0xca: {  	[hbm4b:s0+s3] =	stream.linear.scatter [tilespmem:s28], [sflag:$0x4], $0x8000, $0x38;
	[tilespmem:$0x18400] =	vst v63  }
0xcb: {  	v3 =	vld [tilespmem:$0x100];
	_ =	sdelay $0x4  }
0xcc: {  	v16 =	vshll.u32 v3, $0x1  }
0xcd: {  	v3 =	vand.u32 $0x7, v3;
	v4 =	vand.u32 $0xFFFFFFF0, v16  }
0xce: {  	v3 =	vor.u32 v3, v4  }
0xcf: {  	v4 =	vperm.xlane v3, v0;
	_ =	sdelay $0x1  }
0xd0: {  	v3 =	vperm.xlane v3, v2;
	v4 =	vadd.s32 v1, v4;
	_ =	sdelay $0x1  }
0xd1: {  	v3 =	vadd.s32 v1, v3;
	_ =	sdelay $0x1  }
0xd2: {  	s0 =	simm.s32 $0x10400  }
0xd3: {  	[tilespmem:s0], [sflag:$0x3] =	stream.indirect_vreg.gather [hbm4b:s1+s3], $0x80, v4, vm0, $0xb8;
	[tilespmem:$0x18400] =	vst v63  }
0xd4: {  	s2 =	simm.s32 $0x10C00  }
0xd5: {  	[tilespmem:s2], [sflag:$0x3] =	stream.indirect_vreg.gather [hbm4b:s1+s3], $0x80, v3, vm0, $0xb8;
	[tilespmem:$0x18400] =	vst v63  }
0xd6: {  	v3 =	vld [tilespmem:$0x110];
	_ =	sdelay $0x4  }
0xd7: {  	v17 =	vshll.u32 v3, $0x1  }
0xd8: {  	v3 =	vand.u32 $0x7, v3;
	v4 =	vand.u32 $0xFFFFFFF0, v17  }
0xd9: {  	v3 =	vor.u32 v3, v4  }
0xda: {  	v4 =	vperm.xlane v3, v0;
	_ =	sdelay $0x1  }
0xdb: {  	v3 =	vperm.xlane v3, v2;
	v4 =	vadd.s32 v1, v4;
	_ =	sdelay $0x1  }
0xdc: {  	v3 =	vadd.s32 v1, v3;
	_ =	sdelay $0x2  }
0xdd: {  	[tilespmem:s4], [sflag:$0x3] =	stream.indirect_vreg.gather [hbm4b:s1+s3], $0x80, v4, vm0, $0xb8;
	[tilespmem:$0x18400] =	vst v63  }
0xde: {  	_ = 	snop  }
0xdf: {  	[tilespmem:s6], [sflag:$0x3] =	stream.indirect_vreg.gather [hbm4b:s1+s3], $0x80, v3, vm0, $0xb8;
	[tilespmem:$0x18400] =	vst v63  }
0xe0: {  	v3 =	vld [tilespmem:$0x120];
	_ =	sdelay $0x4  }
0xe1: {  	v18 =	vshll.u32 v3, $0x1  }
0xe2: {  	v3 =	vand.u32 $0x7, v3;
	v4 =	vand.u32 $0xFFFFFFF0, v18  }
0xe3: {  	v3 =	vor.u32 v3, v4  }
0xe4: {  	v4 =	vperm.xlane v3, v0;
	_ =	sdelay $0x1  }
0xe5: {  	v3 =	vperm.xlane v3, v2;
	v4 =	vadd.s32 v1, v4;
	_ =	sdelay $0x1  }
0xe6: {  	v3 =	vadd.s32 v1, v3;
	_ =	sdelay $0x2  }
0xe7: {  	[tilespmem:s7], [sflag:$0x3] =	stream.indirect_vreg.gather [hbm4b:s1+s3], $0x80, v4, vm0, $0xb8;
	[tilespmem:$0x18400] =	vst v63  }
0xe8: {  	_ = 	snop  }
0xe9: {  	[tilespmem:s8], [sflag:$0x3] =	stream.indirect_vreg.gather [hbm4b:s1+s3], $0x80, v3, vm0, $0xb8;
	[tilespmem:$0x18400] =	vst v63  }
0xea: {  	v3 =	vld [tilespmem:$0x130];
	_ =	sdelay $0x4  }
0xeb: {  	v19 =	vshll.u32 v3, $0x1  }
0xec: {  	v3 =	vand.u32 $0x7, v3;
	v4 =	vand.u32 $0xFFFFFFF0, v19  }
0xed: {  	v3 =	vor.u32 v3, v4  }
0xee: {  	v4 =	vperm.xlane v3, v0;
	_ =	sdelay $0x1  }
0xef: {  	v3 =	vperm.xlane v3, v2;
	v4 =	vadd.s32 v1, v4;
	_ =	sdelay $0x1  }
0xf0: {  	v3 =	vadd.s32 v1, v3;
	_ =	sdelay $0x2  }
0xf1: {  	[tilespmem:s9], [sflag:$0x3] =	stream.indirect_vreg.gather [hbm4b:s1+s3], $0x80, v4, vm0, $0xb8;
	[tilespmem:$0x18400] =	vst v63  }
0xf2: {  	_ = 	snop  }
0xf3: {  	[tilespmem:s10], [sflag:$0x3] =	stream.indirect_vreg.gather [hbm4b:s1+s3], $0x80, v3, vm0, $0xb8;
	[tilespmem:$0x18400] =	vst v63  }
0xf4: {  	v3 =	vld [tilespmem:$0x140];
	_ =	sdelay $0x4  }
0xf5: {  	v20 =	vshll.u32 v3, $0x1  }
0xf6: {  	v3 =	vand.u32 $0x7, v3;
	v4 =	vand.u32 $0xFFFFFFF0, v20  }
0xf7: {  	v3 =	vor.u32 v3, v4  }
0xf8: {  	v4 =	vperm.xlane v3, v0;
	_ =	sdelay $0x1  }
0xf9: {  	v3 =	vperm.xlane v3, v2;
	v4 =	vadd.s32 v1, v4;
	_ =	sdelay $0x1  }
0xfa: {  	v3 =	vadd.s32 v1, v3;
	_ =	sdelay $0x2  }
0xfb: {  	[tilespmem:s11], [sflag:$0x3] =	stream.indirect_vreg.gather [hbm4b:s1+s3], $0x80, v4, vm0, $0xb8;
	[tilespmem:$0x18400] =	vst v63  }
0xfc: {  	_ = 	snop  }
0xfd: {  	[tilespmem:s13], [sflag:$0x3] =	stream.indirect_vreg.gather [hbm4b:s1+s3], $0x80, v3, vm0, $0xb8;
	[tilespmem:$0x18400] =	vst v63  }
0xfe: {  	v3 =	vld [tilespmem:$0x150];
	_ =	sdelay $0x4  }
0xff: {  	v21 =	vshll.u32 v3, $0x1  }
0x100: {  	v3 =	vand.u32 $0x7, v3;
	v4 =	vand.u32 $0xFFFFFFF0, v21  }
0x101: {  	v3 =	vor.u32 v3, v4  }
0x102: {  	v4 =	vperm.xlane v3, v0;
	_ =	sdelay $0x1  }
0x103: {  	v3 =	vperm.xlane v3, v2;
	v4 =	vadd.s32 v1, v4;
	_ =	sdelay $0x1  }
0x104: {  	v3 =	vadd.s32 v1, v3;
	_ =	sdelay $0x2  }
0x105: {  	[tilespmem:s20], [sflag:$0x3] =	stream.indirect_vreg.gather [hbm4b:s1+s3], $0x80, v4, vm0, $0xb8;
	[tilespmem:$0x18400] =	vst v63  }
0x106: {  	_ = 	snop  }
0x107: {  	[tilespmem:s21], [sflag:$0x3] =	stream.indirect_vreg.gather [hbm4b:s1+s3], $0x80, v3, vm0, $0xb8;
	[tilespmem:$0x18400] =	vst v63  }
0x108: {  	v3 =	vld [tilespmem:$0x160];
	_ =	sdelay $0x4  }
0x109: {  	v22 =	vshll.u32 v3, $0x1  }
0x10a: {  	v3 =	vand.u32 $0x7, v3;
	v4 =	vand.u32 $0xFFFFFFF0, v22  }
0x10b: {  	v3 =	vor.u32 v3, v4  }
0x10c: {  	v4 =	vperm.xlane v3, v0;
	_ =	sdelay $0x1  }
0x10d: {  	v3 =	vperm.xlane v3, v2;
	v4 =	vadd.s32 v1, v4;
	_ =	sdelay $0x1  }
0x10e: {  	v3 =	vadd.s32 v1, v3;
	_ =	sdelay $0x2  }
0x10f: {  	[tilespmem:s22], [sflag:$0x3] =	stream.indirect_vreg.gather [hbm4b:s1+s3], $0x80, v4, vm0, $0xb8;
	[tilespmem:$0x18400] =	vst v63  }
0x110: {  	_ = 	snop  }
0x111: {  	[tilespmem:s24], [sflag:$0x3] =	stream.indirect_vreg.gather [hbm4b:s1+s3], $0x80, v3, vm0, $0xb8;
	[tilespmem:$0x18400] =	vst v63  }
0x112: {  	v3 =	vld [tilespmem:$0x170];
	_ =	sdelay $0x4  }
0x113: {  	v23 =	vshll.u32 v3, $0x1  }
0x114: {  	v3 =	vand.u32 $0x7, v3;
	v4 =	vand.u32 $0xFFFFFFF0, v23  }
0x115: {  	v3 =	vor.u32 v3, v4  }
0x116: {  	v4 =	vperm.xlane v3, v0;
	_ =	sdelay $0x1  }
0x117: {  	v3 =	vperm.xlane v3, v2;
	v4 =	vadd.s32 v1, v4;
	_ =	sdelay $0x1  }
0x118: {  	v3 =	vadd.s32 v1, v3;
	_ =	sdelay $0x2  }
0x119: {  	[tilespmem:s25], [sflag:$0x3] =	stream.indirect_vreg.gather [hbm4b:s1+s3], $0x80, v4, vm0, $0xb8;
	[tilespmem:$0x18400] =	vst v63  }
0x11a: {  	_ = 	snop  }
0x11b: {  	[tilespmem:s26], [sflag:$0x3] =	stream.indirect_vreg.gather [hbm4b:s1+s3], $0x80, v3, vm0, $0xb8;
	[tilespmem:$0x18400] =	vst v63  }
0x11c: {  	_ =	swait.ge [sflag:s14], $0x8000  }
0x11d: {  	[sflag:s14] =	ssyncset.done $0x0  }
0x11e: {  	s19 =	rddreg [dreg:$0x5];
	[sflag:s14] =	ssyncadd.s32 $0xFFFF8000  }
0x11f: {  	[hbm4b:s19+s3] =	stream.linear.scatter [tilespmem:s23], [sflag:$0x5], $0x8000, $0x38;
	[tilespmem:$0x18400] =	vst v63  }
0x120: {  	_ =	swait.ge [sflag:s15], $0x8000  }
0x121: {  	[sflag:s15] =	ssyncset.done $0x0  }
0x122: {  	[sflag:s15] =	ssyncadd.s32 $0xFFFF8000  }
0x123: {  	v3 =	vld [tilespmem:$0x180];
	_ =	sdelay $0x4  }
0x124: {  	v24 =	vshll.u32 v3, $0x1  }
0x125: {  	v3 =	vand.u32 $0x7, v3;
	v4 =	vand.u32 $0xFFFFFFF0, v24  }
0x126: {  	v3 =	vor.u32 v3, v4  }
0x127: {  	v4 =	vperm.xlane v3, v0;
	_ =	sdelay $0x1  }
0x128: {  	v3 =	vperm.xlane v3, v2;
	v4 =	vadd.s32 v1, v4;
	_ =	sdelay $0x1  }
0x129: {  	v3 =	vadd.s32 v1, v3;
	_ =	sdelay $0x2  }
0x12a: {  	[tilespmem:s28], [sflag:$0x1] =	stream.indirect_vreg.gather [hbm4b:s1+s3], $0x80, v4, vm0, $0xb8;
	[tilespmem:$0x18400] =	vst v63  }
0x12b: {  	s19 =	simm.s32 $0xC00  }
0x12c: {  	[tilespmem:s19], [sflag:$0x1] =	stream.indirect_vreg.gather [hbm4b:s1+s3], $0x80, v3, vm0, $0xb8;
	[tilespmem:$0x18400] =	vst v63  }
0x12d: {  	v3 =	vld [tilespmem:$0x190];
	_ =	sdelay $0x4  }
0x12e: {  	v25 =	vshll.u32 v3, $0x1  }
0x12f: {  	v3 =	vand.u32 $0x7, v3;
	v4 =	vand.u32 $0xFFFFFFF0, v25  }
0x130: {  	v3 =	vor.u32 v3, v4  }
0x131: {  	v4 =	vperm.xlane v3, v0;
	_ =	sdelay $0x1  }
0x132: {  	v3 =	vperm.xlane v3, v2;
	v4 =	vadd.s32 v1, v4;
	_ =	sdelay $0x1  }
0x133: {  	v3 =	vadd.s32 v1, v3;
	_ =	sdelay $0x1  }
0x134: {  	s19 =	simm.s32 $0x1400  }
0x135: {  	[tilespmem:s19], [sflag:$0x1] =	stream.indirect_vreg.gather [hbm4b:s1+s3], $0x80, v4, vm0, $0xb8;
	[tilespmem:$0x18400] =	vst v63  }
0x136: {  	s19 =	simm.s32 $0x1C00  }
0x137: {  	[tilespmem:s19], [sflag:$0x1] =	stream.indirect_vreg.gather [hbm4b:s1+s3], $0x80, v3, vm0, $0xb8;
	[tilespmem:$0x18400] =	vst v63  }
0x138: {  	v3 =	vld [tilespmem:$0x1A0];
	_ =	sdelay $0x4  }
0x139: {  	v26 =	vshll.u32 v3, $0x1  }
0x13a: {  	v3 =	vand.u32 $0x7, v3;
	v4 =	vand.u32 $0xFFFFFFF0, v26  }
0x13b: {  	v3 =	vor.u32 v3, v4  }
0x13c: {  	v4 =	vperm.xlane v3, v0;
	_ =	sdelay $0x1  }
0x13d: {  	v3 =	vperm.xlane v3, v2;
	v4 =	vadd.s32 v1, v4;
	_ =	sdelay $0x1  }
0x13e: {  	v3 =	vadd.s32 v1, v3;
	_ =	sdelay $0x1  }
0x13f: {  	s19 =	simm.s32 $0x2400  }
0x140: {  	[tilespmem:s19], [sflag:$0x1] =	stream.indirect_vreg.gather [hbm4b:s1+s3], $0x80, v4, vm0, $0xb8;
	[tilespmem:$0x18400] =	vst v63  }
0x141: {  	s19 =	simm.s32 $0x2C00  }
0x142: {  	[tilespmem:s19], [sflag:$0x1] =	stream.indirect_vreg.gather [hbm4b:s1+s3], $0x80, v3, vm0, $0xb8;
	[tilespmem:$0x18400] =	vst v63  }
0x143: {  	v3 =	vld [tilespmem:$0x1B0];
	_ =	sdelay $0x4  }
0x144: {  	v27 =	vshll.u32 v3, $0x1  }
0x145: {  	v3 =	vand.u32 $0x7, v3;
	v4 =	vand.u32 $0xFFFFFFF0, v27  }
0x146: {  	v3 =	vor.u32 v3, v4  }
0x147: {  	v4 =	vperm.xlane v3, v0;
	_ =	sdelay $0x1  }
0x148: {  	v3 =	vperm.xlane v3, v2;
	v4 =	vadd.s32 v1, v4;
	_ =	sdelay $0x1  }
0x149: {  	v3 =	vadd.s32 v1, v3;
	_ =	sdelay $0x1  }
0x14a: {  	s19 =	simm.s32 $0x3400  }
0x14b: {  	[tilespmem:s19], [sflag:$0x1] =	stream.indirect_vreg.gather [hbm4b:s1+s3], $0x80, v4, vm0, $0xb8;
	[tilespmem:$0x18400] =	vst v63  }
0x14c: {  	s19 =	simm.s32 $0x3C00  }
0x14d: {  	[tilespmem:s19], [sflag:$0x1] =	stream.indirect_vreg.gather [hbm4b:s1+s3], $0x80, v3, vm0, $0xb8;
	[tilespmem:$0x18400] =	vst v63  }
0x14e: {  	v3 =	vld [tilespmem:$0x1C0];
	_ =	sdelay $0x4  }
0x14f: {  	v28 =	vshll.u32 v3, $0x1  }
0x150: {  	v3 =	vand.u32 $0x7, v3;
	v4 =	vand.u32 $0xFFFFFFF0, v28  }
0x151: {  	v3 =	vor.u32 v3, v4  }
0x152: {  	v4 =	vperm.xlane v3, v0;
	_ =	sdelay $0x1  }
0x153: {  	v3 =	vperm.xlane v3, v2;
	v4 =	vadd.s32 v1, v4;
	_ =	sdelay $0x1  }
0x154: {  	v3 =	vadd.s32 v1, v3;
	_ =	sdelay $0x2  }
0x155: {  	[tilespmem:s29], [sflag:$0x1] =	stream.indirect_vreg.gather [hbm4b:s1+s3], $0x80, v4, vm0, $0xb8;
	[tilespmem:$0x18400] =	vst v63  }
0x156: {  	_ = 	snop  }
0x157: {  	[tilespmem:s30], [sflag:$0x1] =	stream.indirect_vreg.gather [hbm4b:s1+s3], $0x80, v3, vm0, $0xb8;
	[tilespmem:$0x18400] =	vst v63  }
0x158: {  	v3 =	vld [tilespmem:$0x1D0];
	_ =	sdelay $0x4  }
0x159: {  	v29 =	vshll.u32 v3, $0x1  }
0x15a: {  	v3 =	vand.u32 $0x7, v3;
	v4 =	vand.u32 $0xFFFFFFF0, v29  }
0x15b: {  	v3 =	vor.u32 v3, v4  }
0x15c: {  	v4 =	vperm.xlane v3, v0;
	_ =	sdelay $0x1  }
0x15d: {  	v3 =	vperm.xlane v3, v2;
	v4 =	vadd.s32 v1, v4;
	_ =	sdelay $0x1  }
0x15e: {  	v3 =	vadd.s32 v1, v3;
	_ =	sdelay $0x2  }
0x15f: {  	[tilespmem:s31], [sflag:$0x1] =	stream.indirect_vreg.gather [hbm4b:s1+s3], $0x80, v4, vm0, $0xb8;
	[tilespmem:$0x18400] =	vst v63  }
0x160: {  	s19 =	simm.s32 $0x5C00  }
0x161: {  	[tilespmem:s19], [sflag:$0x1] =	stream.indirect_vreg.gather [hbm4b:s1+s3], $0x80, v3, vm0, $0xb8;
	[tilespmem:$0x18400] =	vst v63  }
0x162: {  	v3 =	vld [tilespmem:$0x1E0];
	_ =	sdelay $0x4  }
0x163: {  	v30 =	vshll.u32 v3, $0x1  }
0x164: {  	v3 =	vand.u32 $0x7, v3;
	v4 =	vand.u32 $0xFFFFFFF0, v30  }
0x165: {  	v3 =	vor.u32 v3, v4  }
0x166: {  	v4 =	vperm.xlane v3, v0;
	_ =	sdelay $0x1  }
0x167: {  	v3 =	vperm.xlane v3, v2;
	v4 =	vadd.s32 v1, v4;
	_ =	sdelay $0x1  }
0x168: {  	v3 =	vadd.s32 v1, v3;
	_ =	sdelay $0x1  }
0x169: {  	s19 =	simm.s32 $0x6400  }
0x16a: {  	[tilespmem:s19], [sflag:$0x1] =	stream.indirect_vreg.gather [hbm4b:s1+s3], $0x80, v4, vm0, $0xb8;
	[tilespmem:$0x18400] =	vst v63  }
0x16b: {  	s19 =	simm.s32 $0x6C00  }
0x16c: {  	[tilespmem:s19], [sflag:$0x1] =	stream.indirect_vreg.gather [hbm4b:s1+s3], $0x80, v3, vm0, $0xb8;
	[tilespmem:$0x18400] =	vst v63  }
0x16d: {  	v3 =	vld [tilespmem:$0x1F0];
	_ =	sdelay $0x4  }
0x16e: {  	v31 =	vshll.u32 v3, $0x1  }
0x16f: {  	v3 =	vand.u32 $0x7, v3;
	v4 =	vand.u32 $0xFFFFFFF0, v31  }
0x170: {  	v3 =	vor.u32 v3, v4  }
0x171: {  	v4 =	vperm.xlane v3, v0;
	_ =	sdelay $0x1  }
0x172: {  	v3 =	vperm.xlane v3, v2;
	v4 =	vadd.s32 v1, v4;
	_ =	sdelay $0x1  }
0x173: {  	v3 =	vadd.s32 v1, v3;
	_ =	sdelay $0x1  }
0x174: {  	s19 =	simm.s32 $0x7400  }
0x175: {  	[tilespmem:s19], [sflag:$0x1] =	stream.indirect_vreg.gather [hbm4b:s1+s3], $0x80, v4, vm0, $0xb8;
	[tilespmem:$0x18400] =	vst v63  }
0x176: {  	s19 =	simm.s32 $0x7C00  }
0x177: {  	[tilespmem:s19], [sflag:$0x1] =	stream.indirect_vreg.gather [hbm4b:s1+s3], $0x80, v3, vm0, $0xb8;
	[tilespmem:$0x18400] =	vst v63  }
0x178: {  	_ =	swait.ge [sflag:s16], $0x8000  }
0x179: {  	[sflag:s16] =	ssyncset.done $0x0  }
0x17a: {  	s19 =	rddreg [dreg:$0x6];
	[sflag:s16] =	ssyncadd.s32 $0xFFFF8000  }
0x17b: {  	[hbm4b:s19+s3] =	stream.linear.scatter [tilespmem:s0], [sflag:$0x6], $0x8000, $0x38;
	[tilespmem:$0x18400] =	vst v63  }
0x17c: {  	_ =	swait.ge [sflag:s17], $0x8000  }
0x17d: {  	[sflag:s17] =	ssyncset.done $0x0  }
0x17e: {  	[sflag:s17] =	ssyncadd.s32 $0xFFFF8000  }
0x17f: {  	v3 =	vld [tilespmem:$0x200];
	_ =	sdelay $0x4  }
0x180: {  	v32 =	vshll.u32 v3, $0x1  }
0x181: {  	v3 =	vand.u32 $0x7, v3;
	v4 =	vand.u32 $0xFFFFFFF0, v32  }
0x182: {  	v3 =	vor.u32 v3, v4  }
0x183: {  	v4 =	vperm.xlane v3, v0;
	_ =	sdelay $0x1  }
0x184: {  	v3 =	vperm.xlane v3, v2;
	v4 =	vadd.s32 v1, v4;
	_ =	sdelay $0x1  }
0x185: {  	v3 =	vadd.s32 v1, v3;
	_ =	sdelay $0x2  }
0x186: {  	[tilespmem:s23], [sflag:$0x2] =	stream.indirect_vreg.gather [hbm4b:s1+s3], $0x80, v4, vm0, $0xb8;
	[tilespmem:$0x18400] =	vst v63  }
0x187: {  	s19 =	simm.s32 $0x8C00  }
0x188: {  	[tilespmem:s19], [sflag:$0x2] =	stream.indirect_vreg.gather [hbm4b:s1+s3], $0x80, v3, vm0, $0xb8;
	[tilespmem:$0x18400] =	vst v63  }
0x189: {  	v3 =	vld [tilespmem:$0x210];
	_ =	sdelay $0x4  }
0x18a: {  	v33 =	vshll.u32 v3, $0x1  }
0x18b: {  	v3 =	vand.u32 $0x7, v3;
	v4 =	vand.u32 $0xFFFFFFF0, v33  }
0x18c: {  	v3 =	vor.u32 v3, v4  }
0x18d: {  	v4 =	vperm.xlane v3, v0;
	_ =	sdelay $0x1  }
0x18e: {  	v3 =	vperm.xlane v3, v2;
	v4 =	vadd.s32 v1, v4;
	_ =	sdelay $0x1  }
0x18f: {  	v3 =	vadd.s32 v1, v3;
	_ =	sdelay $0x1  }
0x190: {  	s19 =	simm.s32 $0x9400  }
0x191: {  	[tilespmem:s19], [sflag:$0x2] =	stream.indirect_vreg.gather [hbm4b:s1+s3], $0x80, v4, vm0, $0xb8;
	[tilespmem:$0x18400] =	vst v63  }
0x192: {  	s19 =	simm.s32 $0x9C00  }
0x193: {  	[tilespmem:s19], [sflag:$0x2] =	stream.indirect_vreg.gather [hbm4b:s1+s3], $0x80, v3, vm0, $0xb8;
	[tilespmem:$0x18400] =	vst v63  }
0x194: {  	v3 =	vld [tilespmem:$0x220];
	_ =	sdelay $0x4  }
0x195: {  	v34 =	vshll.u32 v3, $0x1  }
0x196: {  	v3 =	vand.u32 $0x7, v3;
	v4 =	vand.u32 $0xFFFFFFF0, v34  }
0x197: {  	v3 =	vor.u32 v3, v4  }
0x198: {  	v4 =	vperm.xlane v3, v0;
	_ =	sdelay $0x1  }
0x199: {  	v3 =	vperm.xlane v3, v2;
	v4 =	vadd.s32 v1, v4;
	_ =	sdelay $0x1  }
0x19a: {  	v3 =	vadd.s32 v1, v3;
	_ =	sdelay $0x1  }
0x19b: {  	s19 =	simm.s32 $0xA400  }
0x19c: {  	[tilespmem:s19], [sflag:$0x2] =	stream.indirect_vreg.gather [hbm4b:s1+s3], $0x80, v4, vm0, $0xb8;
	[tilespmem:$0x18400] =	vst v63  }
0x19d: {  	s19 =	simm.s32 $0xAC00  }
0x19e: {  	[tilespmem:s19], [sflag:$0x2] =	stream.indirect_vreg.gather [hbm4b:s1+s3], $0x80, v3, vm0, $0xb8;
	[tilespmem:$0x18400] =	vst v63  }
0x19f: {  	v3 =	vld [tilespmem:$0x230];
	_ =	sdelay $0x4  }
0x1a0: {  	v35 =	vshll.u32 v3, $0x1  }
0x1a1: {  	v3 =	vand.u32 $0x7, v3;
	v4 =	vand.u32 $0xFFFFFFF0, v35  }
0x1a2: {  	v3 =	vor.u32 v3, v4  }
0x1a3: {  	v4 =	vperm.xlane v3, v0;
	_ =	sdelay $0x1  }
0x1a4: {  	v3 =	vperm.xlane v3, v2;
	v4 =	vadd.s32 v1, v4;
	_ =	sdelay $0x1  }
0x1a5: {  	v3 =	vadd.s32 v1, v3;
	_ =	sdelay $0x1  }
0x1a6: {  	s19 =	simm.s32 $0xB400  }
0x1a7: {  	[tilespmem:s19], [sflag:$0x2] =	stream.indirect_vreg.gather [hbm4b:s1+s3], $0x80, v4, vm0, $0xb8;
	[tilespmem:$0x18400] =	vst v63  }
0x1a8: {  	s19 =	simm.s32 $0xBC00  }
0x1a9: {  	[tilespmem:s19], [sflag:$0x2] =	stream.indirect_vreg.gather [hbm4b:s1+s3], $0x80, v3, vm0, $0xb8;
	[tilespmem:$0x18400] =	vst v63  }
0x1aa: {  	v3 =	vld [tilespmem:$0x240];
	_ =	sdelay $0x4  }
0x1ab: {  	v36 =	vshll.u32 v3, $0x1  }
0x1ac: {  	v3 =	vand.u32 $0x7, v3;
	v4 =	vand.u32 $0xFFFFFFF0, v36  }
0x1ad: {  	v3 =	vor.u32 v3, v4  }
0x1ae: {  	v4 =	vperm.xlane v3, v0;
	_ =	sdelay $0x1  }
0x1af: {  	v3 =	vperm.xlane v3, v2;
	v4 =	vadd.s32 v1, v4;
	_ =	sdelay $0x1  }
0x1b0: {  	v3 =	vadd.s32 v1, v3;
	_ =	sdelay $0x1  }
0x1b1: {  	s19 =	simm.s32 $0xC400  }
0x1b2: {  	[tilespmem:s19], [sflag:$0x2] =	stream.indirect_vreg.gather [hbm4b:s1+s3], $0x80, v4, vm0, $0xb8;
	[tilespmem:$0x18400] =	vst v63  }
0x1b3: {  	s19 =	simm.s32 $0xCC00  }
0x1b4: {  	[tilespmem:s19], [sflag:$0x2] =	stream.indirect_vreg.gather [hbm4b:s1+s3], $0x80, v3, vm0, $0xb8;
	[tilespmem:$0x18400] =	vst v63  }
0x1b5: {  	v3 =	vld [tilespmem:$0x250];
	_ =	sdelay $0x4  }
0x1b6: {  	v37 =	vshll.u32 v3, $0x1  }
0x1b7: {  	v3 =	vand.u32 $0x7, v3;
	v4 =	vand.u32 $0xFFFFFFF0, v37  }
0x1b8: {  	v3 =	vor.u32 v3, v4  }
0x1b9: {  	v4 =	vperm.xlane v3, v0;
	_ =	sdelay $0x1  }
0x1ba: {  	v3 =	vperm.xlane v3, v2;
	v4 =	vadd.s32 v1, v4;
	_ =	sdelay $0x1  }
0x1bb: {  	v3 =	vadd.s32 v1, v3;
	_ =	sdelay $0x1  }
0x1bc: {  	s19 =	simm.s32 $0xD400  }
0x1bd: {  	[tilespmem:s19], [sflag:$0x2] =	stream.indirect_vreg.gather [hbm4b:s1+s3], $0x80, v4, vm0, $0xb8;
	[tilespmem:$0x18400] =	vst v63  }
0x1be: {  	s19 =	simm.s32 $0xDC00  }
0x1bf: {  	[tilespmem:s19], [sflag:$0x2] =	stream.indirect_vreg.gather [hbm4b:s1+s3], $0x80, v3, vm0, $0xb8;
	[tilespmem:$0x18400] =	vst v63  }
0x1c0: {  	v3 =	vld [tilespmem:$0x260];
	_ =	sdelay $0x4  }
0x1c1: {  	v38 =	vshll.u32 v3, $0x1  }
0x1c2: {  	v3 =	vand.u32 $0x7, v3;
	v4 =	vand.u32 $0xFFFFFFF0, v38  }
0x1c3: {  	v3 =	vor.u32 v3, v4  }
0x1c4: {  	v4 =	vperm.xlane v3, v0;
	_ =	sdelay $0x1  }
0x1c5: {  	v3 =	vperm.xlane v3, v2;
	v4 =	vadd.s32 v1, v4;
	_ =	sdelay $0x1  }
0x1c6: {  	v3 =	vadd.s32 v1, v3;
	_ =	sdelay $0x1  }
0x1c7: {  	s19 =	simm.s32 $0xE400  }
0x1c8: {  	[tilespmem:s19], [sflag:$0x2] =	stream.indirect_vreg.gather [hbm4b:s1+s3], $0x80, v4, vm0, $0xb8;
	[tilespmem:$0x18400] =	vst v63  }
0x1c9: {  	s19 =	simm.s32 $0xEC00  }
0x1ca: {  	[tilespmem:s19], [sflag:$0x2] =	stream.indirect_vreg.gather [hbm4b:s1+s3], $0x80, v3, vm0, $0xb8;
	[tilespmem:$0x18400] =	vst v63  }
0x1cb: {  	v3 =	vld [tilespmem:$0x270];
	_ =	sdelay $0x4  }
0x1cc: {  	v39 =	vshll.u32 v3, $0x1  }
0x1cd: {  	v3 =	vand.u32 $0x7, v3;
	v4 =	vand.u32 $0xFFFFFFF0, v39  }
0x1ce: {  	v3 =	vor.u32 v3, v4  }
0x1cf: {  	v4 =	vperm.xlane v3, v0;
	_ =	sdelay $0x1  }
0x1d0: {  	v3 =	vperm.xlane v3, v2;
	v4 =	vadd.s32 v1, v4;
	_ =	sdelay $0x1  }
0x1d1: {  	v3 =	vadd.s32 v1, v3;
	_ =	sdelay $0x1  }
0x1d2: {  	s19 =	simm.s32 $0xF400  }
0x1d3: {  	[tilespmem:s19], [sflag:$0x2] =	stream.indirect_vreg.gather [hbm4b:s1+s3], $0x80, v4, vm0, $0xb8;
	[tilespmem:$0x18400] =	vst v63  }
0x1d4: {  	s19 =	simm.s32 $0xFC00  }
0x1d5: {  	[tilespmem:s19], [sflag:$0x2] =	stream.indirect_vreg.gather [hbm4b:s1+s3], $0x80, v3, vm0, $0xb8;
	[tilespmem:$0x18400] =	vst v63  }
0x1d6: {  	_ =	swait.ge [sflag:s12], $0x8000  }
0x1d7: {  	[sflag:s12] =	ssyncset.done $0x0  }
0x1d8: {  	s19 =	rddreg [dreg:$0x7];
	[sflag:s12] =	ssyncadd.s32 $0xFFFF8000  }
0x1d9: {  	[hbm4b:s19+s3] =	stream.linear.scatter [tilespmem:s28], [sflag:$0x4], $0x8000, $0x38;
	[tilespmem:$0x18400] =	vst v63  }
0x1da: {  	_ =	swait.ge [sflag:s18], $0x8000  }
0x1db: {  	[sflag:s18] =	ssyncset.done $0x0  }
0x1dc: {  	[sflag:s18] =	ssyncadd.s32 $0xFFFF8000  }
0x1dd: {  	v3 =	vld [tilespmem:$0x280];
	_ =	sdelay $0x4  }
0x1de: {  	v40 =	vshll.u32 v3, $0x1  }
0x1df: {  	v3 =	vand.u32 $0x7, v3;
	v4 =	vand.u32 $0xFFFFFFF0, v40  }
0x1e0: {  	v3 =	vor.u32 v3, v4  }
0x1e1: {  	v4 =	vperm.xlane v3, v0;
	_ =	sdelay $0x1  }
0x1e2: {  	v3 =	vperm.xlane v3, v2;
	v4 =	vadd.s32 v1, v4;
	_ =	sdelay $0x1  }
0x1e3: {  	v3 =	vadd.s32 v1, v3;
	_ =	sdelay $0x2  }
0x1e4: {  	[tilespmem:s0], [sflag:$0x3] =	stream.indirect_vreg.gather [hbm4b:s1+s3], $0x80, v4, vm0, $0xb8;
	[tilespmem:$0x18400] =	vst v63  }
0x1e5: {  	_ = 	snop  }
0x1e6: {  	[tilespmem:s2], [sflag:$0x3] =	stream.indirect_vreg.gather [hbm4b:s1+s3], $0x80, v3, vm0, $0xb8;
	[tilespmem:$0x18400] =	vst v63  }
0x1e7: {  	v3 =	vld [tilespmem:$0x290];
	_ =	sdelay $0x4  }
0x1e8: {  	v41 =	vshll.u32 v3, $0x1  }
0x1e9: {  	v3 =	vand.u32 $0x7, v3;
	v4 =	vand.u32 $0xFFFFFFF0, v41  }
0x1ea: {  	v3 =	vor.u32 v3, v4  }
0x1eb: {  	v4 =	vperm.xlane v3, v0;
	_ =	sdelay $0x1  }
0x1ec: {  	v3 =	vperm.xlane v3, v2;
	v4 =	vadd.s32 v1, v4;
	_ =	sdelay $0x1  }
0x1ed: {  	v3 =	vadd.s32 v1, v3;
	_ =	sdelay $0x2  }
0x1ee: {  	[tilespmem:s4], [sflag:$0x3] =	stream.indirect_vreg.gather [hbm4b:s1+s3], $0x80, v4, vm0, $0xb8;
	[tilespmem:$0x18400] =	vst v63  }
0x1ef: {  	_ = 	snop  }
0x1f0: {  	[tilespmem:s6], [sflag:$0x3] =	stream.indirect_vreg.gather [hbm4b:s1+s3], $0x80, v3, vm0, $0xb8;
	[tilespmem:$0x18400] =	vst v63  }
0x1f1: {  	v3 =	vld [tilespmem:$0x2A0];
	_ =	sdelay $0x4  }
0x1f2: {  	v42 =	vshll.u32 v3, $0x1  }
0x1f3: {  	v3 =	vand.u32 $0x7, v3;
	v4 =	vand.u32 $0xFFFFFFF0, v42  }
0x1f4: {  	v3 =	vor.u32 v3, v4  }
0x1f5: {  	v4 =	vperm.xlane v3, v0;
	_ =	sdelay $0x1  }
0x1f6: {  	v3 =	vperm.xlane v3, v2;
	v4 =	vadd.s32 v1, v4;
	_ =	sdelay $0x1  }
0x1f7: {  	v3 =	vadd.s32 v1, v3;
	_ =	sdelay $0x2  }
0x1f8: {  	[tilespmem:s7], [sflag:$0x3] =	stream.indirect_vreg.gather [hbm4b:s1+s3], $0x80, v4, vm0, $0xb8;
	[tilespmem:$0x18400] =	vst v63  }
0x1f9: {  	_ = 	snop  }
0x1fa: {  	[tilespmem:s8], [sflag:$0x3] =	stream.indirect_vreg.gather [hbm4b:s1+s3], $0x80, v3, vm0, $0xb8;
	[tilespmem:$0x18400] =	vst v63  }
0x1fb: {  	v3 =	vld [tilespmem:$0x2B0];
	_ =	sdelay $0x4  }
0x1fc: {  	v43 =	vshll.u32 v3, $0x1  }
0x1fd: {  	v3 =	vand.u32 $0x7, v3;
	v4 =	vand.u32 $0xFFFFFFF0, v43  }
0x1fe: {  	v3 =	vor.u32 v3, v4  }
0x1ff: {  	v4 =	vperm.xlane v3, v0;
	_ =	sdelay $0x1  }
0x200: {  	v3 =	vperm.xlane v3, v2;
	v4 =	vadd.s32 v1, v4;
	_ =	sdelay $0x1  }
0x201: {  	v3 =	vadd.s32 v1, v3;
	_ =	sdelay $0x2  }
0x202: {  	[tilespmem:s9], [sflag:$0x3] =	stream.indirect_vreg.gather [hbm4b:s1+s3], $0x80, v4, vm0, $0xb8;
	[tilespmem:$0x18400] =	vst v63  }
0x203: {  	_ = 	snop  }
0x204: {  	[tilespmem:s10], [sflag:$0x3] =	stream.indirect_vreg.gather [hbm4b:s1+s3], $0x80, v3, vm0, $0xb8;
	[tilespmem:$0x18400] =	vst v63  }
0x205: {  	v3 =	vld [tilespmem:$0x2C0];
	_ =	sdelay $0x4  }
0x206: {  	v44 =	vshll.u32 v3, $0x1  }
0x207: {  	v3 =	vand.u32 $0x7, v3;
	v4 =	vand.u32 $0xFFFFFFF0, v44  }
0x208: {  	v3 =	vor.u32 v3, v4  }
0x209: {  	v4 =	vperm.xlane v3, v0;
	_ =	sdelay $0x1  }
0x20a: {  	v3 =	vperm.xlane v3, v2;
	v4 =	vadd.s32 v1, v4;
	_ =	sdelay $0x1  }
0x20b: {  	v3 =	vadd.s32 v1, v3;
	_ =	sdelay $0x2  }
0x20c: {  	[tilespmem:s11], [sflag:$0x3] =	stream.indirect_vreg.gather [hbm4b:s1+s3], $0x80, v4, vm0, $0xb8;
	[tilespmem:$0x18400] =	vst v63  }
0x20d: {  	_ = 	snop  }
0x20e: {  	[tilespmem:s13], [sflag:$0x3] =	stream.indirect_vreg.gather [hbm4b:s1+s3], $0x80, v3, vm0, $0xb8;
	[tilespmem:$0x18400] =	vst v63  }
0x20f: {  	v3 =	vld [tilespmem:$0x2D0];
	_ =	sdelay $0x4  }
0x210: {  	v45 =	vshll.u32 v3, $0x1  }
0x211: {  	v3 =	vand.u32 $0x7, v3;
	v4 =	vand.u32 $0xFFFFFFF0, v45  }
0x212: {  	v3 =	vor.u32 v3, v4  }
0x213: {  	v4 =	vperm.xlane v3, v0;
	_ =	sdelay $0x1  }
0x214: {  	v3 =	vperm.xlane v3, v2;
	v4 =	vadd.s32 v1, v4;
	_ =	sdelay $0x1  }
0x215: {  	v3 =	vadd.s32 v1, v3;
	_ =	sdelay $0x2  }
0x216: {  	[tilespmem:s20], [sflag:$0x3] =	stream.indirect_vreg.gather [hbm4b:s1+s3], $0x80, v4, vm0, $0xb8;
	[tilespmem:$0x18400] =	vst v63  }
0x217: {  	_ = 	snop  }
0x218: {  	[tilespmem:s21], [sflag:$0x3] =	stream.indirect_vreg.gather [hbm4b:s1+s3], $0x80, v3, vm0, $0xb8;
	[tilespmem:$0x18400] =	vst v63  }
0x219: {  	v3 =	vld [tilespmem:$0x2E0];
	_ =	sdelay $0x4  }
0x21a: {  	v46 =	vshll.u32 v3, $0x1  }
0x21b: {  	v3 =	vand.u32 $0x7, v3;
	v4 =	vand.u32 $0xFFFFFFF0, v46  }
0x21c: {  	v3 =	vor.u32 v3, v4  }
0x21d: {  	v4 =	vperm.xlane v3, v0;
	_ =	sdelay $0x1  }
0x21e: {  	v3 =	vperm.xlane v3, v2;
	v4 =	vadd.s32 v1, v4;
	_ =	sdelay $0x1  }
0x21f: {  	v3 =	vadd.s32 v1, v3;
	_ =	sdelay $0x2  }
0x220: {  	[tilespmem:s22], [sflag:$0x3] =	stream.indirect_vreg.gather [hbm4b:s1+s3], $0x80, v4, vm0, $0xb8;
	[tilespmem:$0x18400] =	vst v63  }
0x221: {  	_ = 	snop  }
0x222: {  	[tilespmem:s24], [sflag:$0x3] =	stream.indirect_vreg.gather [hbm4b:s1+s3], $0x80, v3, vm0, $0xb8;
	[tilespmem:$0x18400] =	vst v63  }
0x223: {  	v3 =	vld [tilespmem:$0x2F0];
	_ =	sdelay $0x4  }
0x224: {  	v47 =	vshll.u32 v3, $0x1  }
0x225: {  	v3 =	vand.u32 $0x7, v3;
	v4 =	vand.u32 $0xFFFFFFF0, v47  }
0x226: {  	v3 =	vor.u32 v3, v4  }
0x227: {  	v4 =	vperm.xlane v3, v0;
	_ =	sdelay $0x1  }
0x228: {  	v3 =	vperm.xlane v3, v2;
	v4 =	vadd.s32 v1, v4;
	_ =	sdelay $0x1  }
0x229: {  	v3 =	vadd.s32 v1, v3;
	_ =	sdelay $0x2  }
0x22a: {  	[tilespmem:s25], [sflag:$0x3] =	stream.indirect_vreg.gather [hbm4b:s1+s3], $0x80, v4, vm0, $0xb8;
	[tilespmem:$0x18400] =	vst v63  }
0x22b: {  	_ = 	snop  }
0x22c: {  	[tilespmem:s26], [sflag:$0x3] =	stream.indirect_vreg.gather [hbm4b:s1+s3], $0x80, v3, vm0, $0xb8;
	[tilespmem:$0x18400] =	vst v63  }
0x22d: {  	_ =	swait.ge [sflag:s14], $0x8000  }
0x22e: {  	[sflag:s14] =	ssyncset.done $0x0  }
0x22f: {  	s2 =	rddreg [dreg:$0x8];
	[sflag:s14] =	ssyncadd.s32 $0xFFFF8000  }
0x230: {  	[hbm4b:s2+s3] =	stream.linear.scatter [tilespmem:s23], [sflag:$0x5], $0x8000, $0x38;
	[tilespmem:$0x18400] =	vst v63  }
0x231: {  	_ =	swait.ge [sflag:s15], $0x8000  }
0x232: {  	[sflag:s15] =	ssyncset.done $0x0  }
0x233: {  	[sflag:s15] =	ssyncadd.s32 $0xFFFF8000  }
0x234: {  	v3 =	vld [tilespmem:$0x300];
	_ =	sdelay $0x4  }
0x235: {  	v48 =	vshll.u32 v3, $0x1  }
0x236: {  	v3 =	vand.u32 $0x7, v3;
	v4 =	vand.u32 $0xFFFFFFF0, v48  }
0x237: {  	v3 =	vor.u32 v3, v4  }
0x238: {  	v4 =	vperm.xlane v3, v0;
	_ =	sdelay $0x1  }
0x239: {  	v3 =	vperm.xlane v3, v2;
	v4 =	vadd.s32 v1, v4;
	_ =	sdelay $0x1  }
0x23a: {  	v3 =	vadd.s32 v1, v3;
	_ =	sdelay $0x2  }
0x23b: {  	[tilespmem:s28], [sflag:$0x1] =	stream.indirect_vreg.gather [hbm4b:s1+s3], $0x80, v4, vm0, $0xb8;
	[tilespmem:$0x18400] =	vst v63  }
0x23c: {  	s19 =	simm.s32 $0xC00  }
0x23d: {  	[tilespmem:s19], [sflag:$0x1] =	stream.indirect_vreg.gather [hbm4b:s1+s3], $0x80, v3, vm0, $0xb8;
	[tilespmem:$0x18400] =	vst v63  }
0x23e: {  	v3 =	vld [tilespmem:$0x310];
	_ =	sdelay $0x4  }
0x23f: {  	v49 =	vshll.u32 v3, $0x1  }
0x240: {  	v3 =	vand.u32 $0x7, v3;
	v4 =	vand.u32 $0xFFFFFFF0, v49  }
0x241: {  	v3 =	vor.u32 v3, v4  }
0x242: {  	v4 =	vperm.xlane v3, v0;
	_ =	sdelay $0x1  }
0x243: {  	v3 =	vperm.xlane v3, v2;
	v4 =	vadd.s32 v1, v4;
	_ =	sdelay $0x1  }
0x244: {  	v3 =	vadd.s32 v1, v3;
	_ =	sdelay $0x1  }
0x245: {  	s19 =	simm.s32 $0x1400  }
0x246: {  	[tilespmem:s19], [sflag:$0x1] =	stream.indirect_vreg.gather [hbm4b:s1+s3], $0x80, v4, vm0, $0xb8;
	[tilespmem:$0x18400] =	vst v63  }
0x247: {  	s19 =	simm.s32 $0x1C00  }
0x248: {  	[tilespmem:s19], [sflag:$0x1] =	stream.indirect_vreg.gather [hbm4b:s1+s3], $0x80, v3, vm0, $0xb8;
	[tilespmem:$0x18400] =	vst v63  }
0x249: {  	v3 =	vld [tilespmem:$0x320];
	_ =	sdelay $0x4  }
0x24a: {  	v50 =	vshll.u32 v3, $0x1  }
0x24b: {  	v3 =	vand.u32 $0x7, v3;
	v4 =	vand.u32 $0xFFFFFFF0, v50  }
0x24c: {  	v3 =	vor.u32 v3, v4  }
0x24d: {  	v4 =	vperm.xlane v3, v0;
	_ =	sdelay $0x1  }
0x24e: {  	v3 =	vperm.xlane v3, v2;
	v4 =	vadd.s32 v1, v4;
	_ =	sdelay $0x1  }
0x24f: {  	v3 =	vadd.s32 v1, v3;
	_ =	sdelay $0x1  }
0x250: {  	s19 =	simm.s32 $0x2400  }
0x251: {  	[tilespmem:s19], [sflag:$0x1] =	stream.indirect_vreg.gather [hbm4b:s1+s3], $0x80, v4, vm0, $0xb8;
	[tilespmem:$0x18400] =	vst v63  }
0x252: {  	s19 =	simm.s32 $0x2C00  }
0x253: {  	[tilespmem:s19], [sflag:$0x1] =	stream.indirect_vreg.gather [hbm4b:s1+s3], $0x80, v3, vm0, $0xb8;
	[tilespmem:$0x18400] =	vst v63  }
0x254: {  	v3 =	vld [tilespmem:$0x330];
	_ =	sdelay $0x4  }
0x255: {  	v51 =	vshll.u32 v3, $0x1  }
0x256: {  	v3 =	vand.u32 $0x7, v3;
	v4 =	vand.u32 $0xFFFFFFF0, v51  }
0x257: {  	v3 =	vor.u32 v3, v4  }
0x258: {  	v4 =	vperm.xlane v3, v0;
	_ =	sdelay $0x1  }
0x259: {  	v3 =	vperm.xlane v3, v2;
	v4 =	vadd.s32 v1, v4;
	_ =	sdelay $0x1  }
0x25a: {  	v3 =	vadd.s32 v1, v3;
	_ =	sdelay $0x1  }
0x25b: {  	s19 =	simm.s32 $0x3400  }
0x25c: {  	[tilespmem:s19], [sflag:$0x1] =	stream.indirect_vreg.gather [hbm4b:s1+s3], $0x80, v4, vm0, $0xb8;
	[tilespmem:$0x18400] =	vst v63  }
0x25d: {  	s19 =	simm.s32 $0x3C00  }
0x25e: {  	[tilespmem:s19], [sflag:$0x1] =	stream.indirect_vreg.gather [hbm4b:s1+s3], $0x80, v3, vm0, $0xb8;
	[tilespmem:$0x18400] =	vst v63  }
0x25f: {  	v3 =	vld [tilespmem:$0x340];
	_ =	sdelay $0x4  }
0x260: {  	v52 =	vshll.u32 v3, $0x1  }
0x261: {  	v3 =	vand.u32 $0x7, v3;
	v4 =	vand.u32 $0xFFFFFFF0, v52  }
0x262: {  	v3 =	vor.u32 v3, v4  }
0x263: {  	v4 =	vperm.xlane v3, v0;
	_ =	sdelay $0x1  }
0x264: {  	v3 =	vperm.xlane v3, v2;
	v4 =	vadd.s32 v1, v4;
	_ =	sdelay $0x1  }
0x265: {  	v3 =	vadd.s32 v1, v3;
	_ =	sdelay $0x2  }
0x266: {  	[tilespmem:s29], [sflag:$0x1] =	stream.indirect_vreg.gather [hbm4b:s1+s3], $0x80, v4, vm0, $0xb8;
	[tilespmem:$0x18400] =	vst v63  }
0x267: {  	_ = 	snop  }
0x268: {  	[tilespmem:s30], [sflag:$0x1] =	stream.indirect_vreg.gather [hbm4b:s1+s3], $0x80, v3, vm0, $0xb8;
	[tilespmem:$0x18400] =	vst v63  }
0x269: {  	v3 =	vld [tilespmem:$0x350];
	_ =	sdelay $0x4  }
0x26a: {  	v53 =	vshll.u32 v3, $0x1  }
0x26b: {  	v3 =	vand.u32 $0x7, v3;
	v4 =	vand.u32 $0xFFFFFFF0, v53  }
0x26c: {  	v3 =	vor.u32 v3, v4  }
0x26d: {  	v4 =	vperm.xlane v3, v0;
	_ =	sdelay $0x1  }
0x26e: {  	v3 =	vperm.xlane v3, v2;
	v4 =	vadd.s32 v1, v4;
	_ =	sdelay $0x1  }
0x26f: {  	v3 =	vadd.s32 v1, v3;
	_ =	sdelay $0x2  }
0x270: {  	[tilespmem:s31], [sflag:$0x1] =	stream.indirect_vreg.gather [hbm4b:s1+s3], $0x80, v4, vm0, $0xb8;
	[tilespmem:$0x18400] =	vst v63  }
0x271: {  	s19 =	simm.s32 $0x5C00  }
0x272: {  	[tilespmem:s19], [sflag:$0x1] =	stream.indirect_vreg.gather [hbm4b:s1+s3], $0x80, v3, vm0, $0xb8;
	[tilespmem:$0x18400] =	vst v63  }
0x273: {  	v3 =	vld [tilespmem:$0x360];
	_ =	sdelay $0x4  }
0x274: {  	v54 =	vshll.u32 v3, $0x1  }
0x275: {  	v3 =	vand.u32 $0x7, v3;
	v4 =	vand.u32 $0xFFFFFFF0, v54  }
0x276: {  	v3 =	vor.u32 v3, v4  }
0x277: {  	v4 =	vperm.xlane v3, v0;
	_ =	sdelay $0x1  }
0x278: {  	v3 =	vperm.xlane v3, v2;
	v4 =	vadd.s32 v1, v4;
	_ =	sdelay $0x1  }
0x279: {  	v3 =	vadd.s32 v1, v3;
	_ =	sdelay $0x1  }
0x27a: {  	s19 =	simm.s32 $0x6400  }
0x27b: {  	[tilespmem:s19], [sflag:$0x1] =	stream.indirect_vreg.gather [hbm4b:s1+s3], $0x80, v4, vm0, $0xb8;
	[tilespmem:$0x18400] =	vst v63  }
0x27c: {  	s19 =	simm.s32 $0x6C00  }
0x27d: {  	[tilespmem:s19], [sflag:$0x1] =	stream.indirect_vreg.gather [hbm4b:s1+s3], $0x80, v3, vm0, $0xb8;
	[tilespmem:$0x18400] =	vst v63  }
0x27e: {  	v3 =	vld [tilespmem:$0x370];
	_ =	sdelay $0x4  }
0x27f: {  	v55 =	vshll.u32 v3, $0x1  }
0x280: {  	v3 =	vand.u32 $0x7, v3;
	v4 =	vand.u32 $0xFFFFFFF0, v55  }
0x281: {  	v3 =	vor.u32 v3, v4  }
0x282: {  	v4 =	vperm.xlane v3, v0;
	_ =	sdelay $0x1  }
0x283: {  	v3 =	vperm.xlane v3, v2;
	v4 =	vadd.s32 v1, v4;
	_ =	sdelay $0x1  }
0x284: {  	v3 =	vadd.s32 v1, v3;
	_ =	sdelay $0x1  }
0x285: {  	s19 =	simm.s32 $0x7400  }
0x286: {  	[tilespmem:s19], [sflag:$0x1] =	stream.indirect_vreg.gather [hbm4b:s1+s3], $0x80, v4, vm0, $0xb8;
	[tilespmem:$0x18400] =	vst v63  }
0x287: {  	s19 =	simm.s32 $0x7C00  }
0x288: {  	[tilespmem:s19], [sflag:$0x1] =	stream.indirect_vreg.gather [hbm4b:s1+s3], $0x80, v3, vm0, $0xb8;
	[tilespmem:$0x18400] =	vst v63  }
0x289: {  	_ =	swait.ge [sflag:s16], $0x8000  }
0x28a: {  	[sflag:s16] =	ssyncset.done $0x0  }
0x28b: {  	s2 =	rddreg [dreg:$0x9];
	[sflag:s16] =	ssyncadd.s32 $0xFFFF8000  }
0x28c: {  	[hbm4b:s2+s3] =	stream.linear.scatter [tilespmem:s0], [sflag:$0x6], $0x8000, $0x38;
	[tilespmem:$0x18400] =	vst v63  }
0x28d: {  	_ =	swait.ge [sflag:s17], $0x8000  }
0x28e: {  	[sflag:s17] =	ssyncset.done $0x0  }
0x28f: {  	[sflag:s17] =	ssyncadd.s32 $0xFFFF8000  }
0x290: {  	v3 =	vld [tilespmem:$0x380];
	_ =	sdelay $0x4  }
0x291: {  	v56 =	vshll.u32 v3, $0x1  }
0x292: {  	v3 =	vand.u32 $0x7, v3;
	v4 =	vand.u32 $0xFFFFFFF0, v56  }
0x293: {  	v3 =	vor.u32 v3, v4  }
0x294: {  	v4 =	vperm.xlane v3, v0;
	_ =	sdelay $0x1  }
0x295: {  	v3 =	vperm.xlane v3, v2;
	v4 =	vadd.s32 v1, v4;
	_ =	sdelay $0x1  }
0x296: {  	v3 =	vadd.s32 v1, v3;
	_ =	sdelay $0x2  }
0x297: {  	[tilespmem:s23], [sflag:$0x2] =	stream.indirect_vreg.gather [hbm4b:s1+s3], $0x80, v4, vm0, $0xb8;
	[tilespmem:$0x18400] =	vst v63  }
0x298: {  	s19 =	simm.s32 $0x8C00  }
0x299: {  	[tilespmem:s19], [sflag:$0x2] =	stream.indirect_vreg.gather [hbm4b:s1+s3], $0x80, v3, vm0, $0xb8;
	[tilespmem:$0x18400] =	vst v63  }
0x29a: {  	v3 =	vld [tilespmem:$0x390];
	_ =	sdelay $0x4  }
0x29b: {  	v57 =	vshll.u32 v3, $0x1  }
0x29c: {  	v3 =	vand.u32 $0x7, v3;
	v4 =	vand.u32 $0xFFFFFFF0, v57  }
0x29d: {  	v3 =	vor.u32 v3, v4  }
0x29e: {  	v4 =	vperm.xlane v3, v0;
	_ =	sdelay $0x1  }
0x29f: {  	v3 =	vperm.xlane v3, v2;
	v4 =	vadd.s32 v1, v4;
	_ =	sdelay $0x1  }
0x2a0: {  	v3 =	vadd.s32 v1, v3;
	_ =	sdelay $0x1  }
0x2a1: {  	s2 =	simm.s32 $0x9400  }
0x2a2: {  	[tilespmem:s2], [sflag:$0x2] =	stream.indirect_vreg.gather [hbm4b:s1+s3], $0x80, v4, vm0, $0xb8;
	[tilespmem:$0x18400] =	vst v63  }
0x2a3: {  	s19 =	simm.s32 $0x9C00  }
0x2a4: {  	[tilespmem:s19], [sflag:$0x2] =	stream.indirect_vreg.gather [hbm4b:s1+s3], $0x80, v3, vm0, $0xb8;
	[tilespmem:$0x18400] =	vst v63  }
0x2a5: {  	v3 =	vld [tilespmem:$0x3A0];
	_ =	sdelay $0x4  }
0x2a6: {  	v58 =	vshll.u32 v3, $0x1  }
0x2a7: {  	v3 =	vand.u32 $0x7, v3;
	v4 =	vand.u32 $0xFFFFFFF0, v58  }
0x2a8: {  	v3 =	vor.u32 v3, v4  }
0x2a9: {  	v4 =	vperm.xlane v3, v0;
	_ =	sdelay $0x1  }
0x2aa: {  	v3 =	vperm.xlane v3, v2;
	v4 =	vadd.s32 v1, v4;
	_ =	sdelay $0x1  }
0x2ab: {  	v3 =	vadd.s32 v1, v3;
	_ =	sdelay $0x1  }
0x2ac: {  	s2 =	simm.s32 $0xA400  }
0x2ad: {  	[tilespmem:s2], [sflag:$0x2] =	stream.indirect_vreg.gather [hbm4b:s1+s3], $0x80, v4, vm0, $0xb8;
	[tilespmem:$0x18400] =	vst v63  }
0x2ae: {  	s19 =	simm.s32 $0xAC00  }
0x2af: {  	[tilespmem:s19], [sflag:$0x2] =	stream.indirect_vreg.gather [hbm4b:s1+s3], $0x80, v3, vm0, $0xb8;
	[tilespmem:$0x18400] =	vst v63  }
0x2b0: {  	v3 =	vld [tilespmem:$0x3B0];
	_ =	sdelay $0x4  }
0x2b1: {  	v59 =	vshll.u32 v3, $0x1  }
0x2b2: {  	v3 =	vand.u32 $0x7, v3;
	v4 =	vand.u32 $0xFFFFFFF0, v59  }
0x2b3: {  	v3 =	vor.u32 v3, v4  }
0x2b4: {  	v4 =	vperm.xlane v3, v0;
	_ =	sdelay $0x1  }
0x2b5: {  	v3 =	vperm.xlane v3, v2;
	v4 =	vadd.s32 v1, v4;
	_ =	sdelay $0x1  }
0x2b6: {  	v3 =	vadd.s32 v1, v3;
	_ =	sdelay $0x1  }
0x2b7: {  	s2 =	simm.s32 $0xB400  }
0x2b8: {  	[tilespmem:s2], [sflag:$0x2] =	stream.indirect_vreg.gather [hbm4b:s1+s3], $0x80, v4, vm0, $0xb8;
	[tilespmem:$0x18400] =	vst v63  }
0x2b9: {  	s19 =	simm.s32 $0xBC00  }
0x2ba: {  	[tilespmem:s19], [sflag:$0x2] =	stream.indirect_vreg.gather [hbm4b:s1+s3], $0x80, v3, vm0, $0xb8;
	[tilespmem:$0x18400] =	vst v63  }
0x2bb: {  	v3 =	vld [tilespmem:$0x3C0];
	_ =	sdelay $0x4  }
0x2bc: {  	v60 =	vshll.u32 v3, $0x1  }
0x2bd: {  	v3 =	vand.u32 $0x7, v3;
	v4 =	vand.u32 $0xFFFFFFF0, v60  }
0x2be: {  	v3 =	vor.u32 v3, v4  }
0x2bf: {  	v4 =	vperm.xlane v3, v0;
	_ =	sdelay $0x1  }
0x2c0: {  	v3 =	vperm.xlane v3, v2;
	v4 =	vadd.s32 v1, v4;
	_ =	sdelay $0x1  }
0x2c1: {  	v3 =	vadd.s32 v1, v3;
	_ =	sdelay $0x1  }
0x2c2: {  	s2 =	simm.s32 $0xC400  }
0x2c3: {  	[tilespmem:s2], [sflag:$0x2] =	stream.indirect_vreg.gather [hbm4b:s1+s3], $0x80, v4, vm0, $0xb8;
	[tilespmem:$0x18400] =	vst v63  }
0x2c4: {  	s19 =	simm.s32 $0xCC00  }
0x2c5: {  	[tilespmem:s19], [sflag:$0x2] =	stream.indirect_vreg.gather [hbm4b:s1+s3], $0x80, v3, vm0, $0xb8;
	[tilespmem:$0x18400] =	vst v63  }
0x2c6: {  	v3 =	vld [tilespmem:$0x3D0];
	_ =	sdelay $0x4  }
0x2c7: {  	v61 =	vshll.u32 v3, $0x1  }
0x2c8: {  	v3 =	vand.u32 $0x7, v3;
	v4 =	vand.u32 $0xFFFFFFF0, v61  }
0x2c9: {  	v3 =	vor.u32 v3, v4  }
0x2ca: {  	v4 =	vperm.xlane v3, v0;
	_ =	sdelay $0x1  }
0x2cb: {  	v3 =	vperm.xlane v3, v2;
	v4 =	vadd.s32 v1, v4;
	_ =	sdelay $0x1  }
0x2cc: {  	v3 =	vadd.s32 v1, v3;
	_ =	sdelay $0x1  }
0x2cd: {  	s2 =	simm.s32 $0xD400  }
0x2ce: {  	[tilespmem:s2], [sflag:$0x2] =	stream.indirect_vreg.gather [hbm4b:s1+s3], $0x80, v4, vm0, $0xb8;
	[tilespmem:$0x18400] =	vst v63  }
0x2cf: {  	s19 =	simm.s32 $0xDC00  }
0x2d0: {  	[tilespmem:s19], [sflag:$0x2] =	stream.indirect_vreg.gather [hbm4b:s1+s3], $0x80, v3, vm0, $0xb8;
	[tilespmem:$0x18400] =	vst v63  }
0x2d1: {  	v3 =	vld [tilespmem:$0x3E0];
	_ =	sdelay $0x4  }
0x2d2: {  	v62 =	vshll.u32 v3, $0x1  }
0x2d3: {  	v3 =	vand.u32 $0x7, v3;
	v4 =	vand.u32 $0xFFFFFFF0, v62  }
0x2d4: {  	v3 =	vor.u32 v3, v4  }
0x2d5: {  	v4 =	vperm.xlane v3, v0;
	_ =	sdelay $0x1  }
0x2d6: {  	v3 =	vperm.xlane v3, v2;
	v4 =	vadd.s32 v1, v4;
	_ =	sdelay $0x1  }
0x2d7: {  	v3 =	vadd.s32 v1, v3;
	_ =	sdelay $0x1  }
0x2d8: {  	s2 =	simm.s32 $0xE400  }
0x2d9: {  	[tilespmem:s2], [sflag:$0x2] =	stream.indirect_vreg.gather [hbm4b:s1+s3], $0x80, v4, vm0, $0xb8;
	[tilespmem:$0x18400] =	vst v63  }
0x2da: {  	s19 =	simm.s32 $0xEC00  }
0x2db: {  	[tilespmem:s19], [sflag:$0x2] =	stream.indirect_vreg.gather [hbm4b:s1+s3], $0x80, v3, vm0, $0xb8;
	[tilespmem:$0x18400] =	vst v63  }
0x2dc: {  	v3 =	vld [tilespmem:$0x3F0];
	_ =	sdelay $0x4  }
0x2dd: {  	v63 =	vshll.u32 v3, $0x1  }
0x2de: {  	v3 =	vand.u32 $0x7, v3;
	v4 =	vand.u32 $0xFFFFFFF0, v63  }
0x2df: {  	v3 =	vor.u32 v3, v4  }
0x2e0: {  	v4 =	vperm.xlane v3, v0;
	_ =	sdelay $0x1  }
0x2e1: {  	v3 =	vperm.xlane v3, v2;
	v4 =	vadd.s32 v1, v4;
	_ =	sdelay $0x1  }
0x2e2: {  	v3 =	vadd.s32 v1, v3;
	_ =	sdelay $0x1  }
0x2e3: {  	s2 =	simm.s32 $0xF400  }
0x2e4: {  	[tilespmem:s2], [sflag:$0x2] =	stream.indirect_vreg.gather [hbm4b:s1+s3], $0x80, v4, vm0, $0xb8;
	[tilespmem:$0x18400] =	vst v63  }
0x2e5: {  	s19 =	simm.s32 $0xFC00  }
0x2e6: {  	[tilespmem:s19], [sflag:$0x2] =	stream.indirect_vreg.gather [hbm4b:s1+s3], $0x80, v3, vm0, $0xb8;
	[tilespmem:$0x18400] =	vst v63  }
0x2e7: {  	_ =	swait.ge [sflag:s12], $0x8000  }
0x2e8: {  	[sflag:s12] =	ssyncset.done $0x0  }
0x2e9: {  	s0 =	rddreg [dreg:$0xa];
	[sflag:s12] =	ssyncadd.s32 $0xFFFF8000  }
0x2ea: {  	[hbm4b:s0+s3] =	stream.linear.scatter [tilespmem:s28], [sflag:$0x4], $0x8000, $0x38;
	[tilespmem:$0x18400] =	vst v63  }
0x2eb: {  	_ =	swait.ge [sflag:s14], $0x8000  }
0x2ec: {  	[sflag:s14] =	ssyncset.done $0x0  }
0x2ed: {  	s2 =	rddreg [dreg:$0xb];
	[sflag:s14] =	ssyncadd.s32 $0xFFFF8000  }
0x2ee: {  	[hbm4b:s2+s3] =	stream.linear.scatter [tilespmem:s23], [sflag:$0x5], $0x8000, $0x38;
	[tilespmem:$0x18400] =	vst v63  }
0x2ef: {  	_ =	swait.ge [sflag:s15], $0x8000  }
0x2f0: {  	[sflag:s15] =	ssyncset.done $0x0  }
0x2f1: {  	[sflag:s15] =	ssyncadd.s32 $0xFFFF8000  }
0x2f2: {  	p0 =	sne.s32 s5, $0x1;
	_ =	swait.ge [sflag:s17], $0x8000  }
.Ltmp0:
0x2f3: {  	[sflag:s17] =	ssyncset.done $0x0;
	(pc) =	sbr.rel @p0 .LBB2_1-.Ltmp0, $4  }
0x2f4: {  	[sflag:s17] =	ssyncadd.s32 $0xFFFF8000  }
0x2f5: {  	_ =	swait.ge [sflag:s18], $0x8000  }
0x2f6: {  	[sflag:s18] =	ssyncset.done $0x0  }
0x2f7: {  	s5 =	sadd.s32 $0xFFFFFFFF, s5;
	[sflag:s18] =	ssyncadd.s32 $0xFFFF8000  }
0x2f8: {  	_ =	sfence.sel $0x180000  }
0x2f9: {  	[bflag:$0x0] =	sbarrier.arrive $0xFFFF  }
0x2fa: {  	_ =	strace $0x90000047  }
0x2fb: {  	s0 =	stileid.u32;
	[bflag:$0x2] =	sbarrier.arrive $0xFFFF  }
0x2fc: {  	p0 =	sne.s32 s0, $0x0;
	s0 =	rddreg [dreg:$0x3]  }
0x2fd: {  	s0 =	sadd.s32 @!p0 $0x100000, s0  }
0x2fe: {  	[sflag:s0] =	ssyncadd.tile.s32 @!p0 $0x1;
	_ =	shalt  }
.Lfunc_end2:
_tile_overlayer_lowered:
.L_overlay_start_2:
0x2ff: {  	(tag) =	ssettag $0x2  }
0x300: {  	s0 =	rddreg [dreg:$0x0];
	s2 =	stileid.u32  }
0x301: {  	s1 =	rddreg [dreg:$0x1];
	p0 =	sne.s32 s2, $0x0  }
0x302: {  	s3 =	rddreg [dreg:$0x2];
	[bflag:$0x3] =	sbarrier.arrive $0xFFFF;
	s2 =	simm.s32 @!p0 $0x1C07  }
0x303: {  	[timem:s3], [sflag:s2] =	dma.local @!p0 [hbm:s0], s1  }
0x304: {  	s0 =	simm.s32 @!p0 $0x7  }
0x305: {  	_ =	swait.ge @!p0 [sflag:s0], s1  }
0x306: {  	s1 =	ssub.s32 @!p0 $0x0, s1;
	[sflag:s0] =	ssyncset.done @!p0 $0x0  }
0x307: {  	[sflag:s0] =	ssyncadd.s32 @!p0 s1  }
0x308: {  	[bflag:$0x3] =	sbarrier.arrive $0xFFFF  }
0x309: {  	_ =	shalt  }

</sc_bundles>
